<compile_context>
chip_gen: v7x
topology: tpu7x:2x2x1
jax: 0.10.2.dev20260603
libtpu: 0.0.44.dev20260713+nightly
codegen_flags: <defaults>
</compile_context>

<pallas_src>
import functools

import jax
import jax.numpy as jnp
from jax import lax
from jax.experimental import pallas as pl
from jax.experimental.pallas import tpu as pltpu
from jax.experimental.pallas import tpu_sc as plsc

N = 10000
E = 320000
D = 128
NP = 10240
TRASH = 10200
EP = 327680
NBT = EP // 128
ROWS_PER_W = NP // 16
BLK = 1024

_mesh = plsc.VectorSubcoreMesh(core_axis_name="c", subcore_axis_name="s")


@functools.partial(
    pl.kernel,
    mesh=_mesh,
    out_type=jax.ShapeDtypeStruct((2 * NP,), jnp.float32),
    scratch_types=[
        pltpu.VMEM((NBT // 32, 128), jnp.int32),
        pltpu.VMEM((128,), jnp.float32),
        pltpu.VMEM((ROWS_PER_W,), jnp.float32),
        pltpu.VMEM_SHARED((2 * NP,), jnp.float32),
    ],
)
def _sc_degree(dst_hbm, ones_hbm, zrow_hbm, out_hbm, dst_v, ones_v, zv, deg_sp):
    c = lax.axis_index("c")
    s = lax.axis_index("s")
    w = c * 16 + s
    nb = NBT // 32
    pltpu.sync_copy(dst_hbm.at[pl.ds(w * nb, nb)], dst_v)
    pltpu.sync_copy(ones_hbm, ones_v)
    pltpu.sync_copy(zrow_hbm.at[pl.ds(0, ROWS_PER_W)], zv)
    pltpu.sync_copy(zv, deg_sp.at[pl.ds(s * ROWS_PER_W, ROWS_PER_W)])
    plsc.subcore_barrier()

    def body(i, carry):
        pltpu.sync_copy(ones_v, deg_sp.at[dst_v.at[i]], add=True)
        return carry

    lax.fori_loop(0, nb, body, 0)
    plsc.subcore_barrier()
    pltpu.sync_copy(deg_sp.at[pl.ds(s * ROWS_PER_W, ROWS_PER_W)], zv)
    pltpu.sync_copy(zv, out_hbm.at[pl.ds(c * NP + s * ROWS_PER_W, ROWS_PER_W)])


DQ = D // 2


@functools.partial(
    pl.kernel,
    mesh=_mesh,
    out_type=jax.ShapeDtypeStruct((4, NP, DQ), jnp.float32),
    scratch_types=[
        pltpu.VMEM((NBT // 32, 128), jnp.int32),
        pltpu.VMEM((NBT // 32, 128), jnp.int32),
        pltpu.VMEM((128, DQ), jnp.float32),
        pltpu.VMEM((128, DQ), jnp.float32),
        pltpu.VMEM_SHARED((2 * NP, DQ), jnp.float32),
        pltpu.SemaphoreType.DMA,
        pltpu.SemaphoreType.DMA,
    ],
    compiler_params=pltpu.CompilerParams(use_tc_tiling_on_sc=False),
)
def _sc_pass(gpc_hbm, src4_hbm, dst_hbm, zrows_hbm, out_hbm,
             src_v, dst_v, rows_a, rows_b, acc_sp, sem_a, sem_b):
    c = lax.axis_index("c")
    s = lax.axis_index("s")
    nb = NBT // 16
    nh = nb // 2

    def gather(i, buf, sem):
        return pltpu.async_copy(gpc_hbm.at[src_v.at[i]], buf, sem)

    def scat(i, buf):
        pltpu.sync_copy(buf, acc_sp.at[dst_v.at[i]], add=True)

    def body(j, carry):
        b0 = 2 * j
        gather(b0 + 1, rows_b, sem_b)
        pltpu.make_async_copy(gpc_hbm.at[src_v.at[b0]], rows_a, sem_a).wait()
        scat(b0, rows_a)

        @pl.when(b0 + 2 < nh)
        def _():
            gather(b0 + 2, rows_a, sem_a)

        pltpu.make_async_copy(gpc_hbm.at[src_v.at[b0 + 1]], rows_b,
                              sem_b).wait()
        scat(b0 + 1, rows_b)
        return carry

    for f in range(2):
        q = 2 * c + f
        pltpu.sync_copy(zrows_hbm,
                        acc_sp.at[pl.ds(s * ROWS_PER_W, ROWS_PER_W)])
        plsc.subcore_barrier()
        for h in range(2):
            pltpu.sync_copy(src4_hbm.at[q, pl.ds(s * nb + h * nh, nh)], src_v)
            pltpu.sync_copy(dst_hbm.at[pl.ds(s * nb + h * nh, nh)], dst_v)
            gather(0, rows_a, sem_a)
            lax.fori_loop(0, nh // 2, body, 0)
        plsc.subcore_barrier()
        pltpu.sync_copy(acc_sp.at[pl.ds(s * ROWS_PER_W, ROWS_PER_W)],
                        out_hbm.at[q, pl.ds(s * ROWS_PER_W, ROWS_PER_W)])


def _tc1_body(xp_ref, w_ref, b_ref, p0_ref, p1_ref,
              gpc_ref, sc_ref, dinv_ref):
    deg = 1.0 + p0_ref[0, :] + p1_ref[0, :]
    dinv = lax.rsqrt(deg)
    hw = jnp.dot(xp_ref[...], w_ref[...], preferred_element_type=jnp.float32)
    gp = dinv[:, None] * hw
    for q in range(4):
        gpc_ref[q, :, :] = gp[:, q * DQ:(q + 1) * DQ]
    sc_ref[...] = dinv[:, None] * gp + b_ref[0, :][None, :]
    dinv_ref[0, :] = dinv


def _tc_step_body(acc_ref, sc_in_ref, dinv_ref, w_ref, b_ref,
                  gpc_ref, sc_ref, o_ref):
    dinv = dinv_ref[0, :]
    acc = jnp.concatenate([acc_ref[q] for q in range(4)], axis=1)
    o = dinv[:, None] * acc + sc_in_ref[...]
    h = jnp.maximum(o, 0.0)
    hw = jnp.dot(h, w_ref[...], preferred_element_type=jnp.float32)
    gp = dinv[:, None] * hw
    for q in range(4):
        gpc_ref[q, :, :] = gp[:, q * DQ:(q + 1) * DQ]
    sc_ref[...] = dinv[:, None] * gp + b_ref[0, :][None, :]
    o_ref[...] = o


def _row_spec(shape):
    nd = len(shape)
    if nd == 2:
        return pl.BlockSpec((BLK, shape[1]), lambda i: (i, 0))
    return pl.BlockSpec((shape[0], BLK, shape[2]), lambda i: (0, i, 0))


_GRID = NP // BLK


def _tc1(xp, W1, b1r, p0, p1):
    return pl.pallas_call(
        _tc1_body,
        grid=(_GRID,),
        in_specs=[
            _row_spec(xp.shape),
            pl.BlockSpec(W1.shape, lambda i: (0, 0)),
            pl.BlockSpec(b1r.shape, lambda i: (0, 0)),
            pl.BlockSpec((1, BLK), lambda i: (0, i)),
            pl.BlockSpec((1, BLK), lambda i: (0, i)),
        ],
        out_specs=[
            pl.BlockSpec((4, BLK, DQ), lambda i: (0, i, 0)),
            pl.BlockSpec((BLK, 2 * D), lambda i: (i, 0)),
            pl.BlockSpec((1, BLK), lambda i: (0, i)),
        ],
        out_shape=[
            jax.ShapeDtypeStruct((4, NP, DQ), jnp.float32),
            jax.ShapeDtypeStruct((NP, 2 * D), jnp.float32),
            jax.ShapeDtypeStruct((1, NP), jnp.float32),
        ],
    )(xp, W1, b1r, p0, p1)


def _tc_step(acc, sc_in, dinv, W, br):
    return pl.pallas_call(
        _tc_step_body,
        grid=(_GRID,),
        in_specs=[
            _row_spec(acc.shape),
            _row_spec(sc_in.shape),
            pl.BlockSpec((1, BLK), lambda i: (0, i)),
            pl.BlockSpec(W.shape, lambda i: (0, 0)),
            pl.BlockSpec(br.shape, lambda i: (0, 0)),
        ],
        out_specs=[
            pl.BlockSpec((4, BLK, DQ), lambda i: (0, i, 0)),
            pl.BlockSpec((BLK, 2 * D), lambda i: (i, 0)),
            pl.BlockSpec((BLK, 2 * D), lambda i: (i, 0)),
        ],
        out_shape=[
            jax.ShapeDtypeStruct((4, NP, DQ), jnp.float32),
            jax.ShapeDtypeStruct((NP, 2 * D), jnp.float32),
            jax.ShapeDtypeStruct((NP, 2 * D), jnp.float32),
        ],
    )(acc, sc_in, dinv, W, br)


def kernel(x, edge_index, W1, b1, Wmu, bmu, Wls, bls):
    src = edge_index[0].astype(jnp.int32)
    dst = edge_index[1].astype(jnp.int32)
    pad = EP - E
    src_p = jnp.concatenate([src, jnp.zeros((pad,), jnp.int32)])
    dst_p = jnp.concatenate([dst, jnp.full((pad,), TRASH, jnp.int32)])
    src4 = jnp.stack([src_p + q * NP for q in range(4)]).reshape(4, NBT, 128)
    dst2d = dst_p.reshape(NBT, 128)
    xp = jnp.pad(x, ((0, NP - N), (0, 0)))
    W23 = jnp.concatenate([Wmu, Wls], axis=1)
    b23 = jnp.concatenate([bmu, bls]).reshape(1, 2 * D)
    b1r = b1.reshape(1, 2 * D)
    zrows = jnp.zeros((ROWS_PER_W, DQ), jnp.float32)
    zrow1 = jnp.zeros((NP,), jnp.float32)
    ones128 = jnp.ones((128,), jnp.float32)

    degp = _sc_degree(dst2d, ones128, zrow1)
    p0 = degp[:NP].reshape(1, NP)
    p1 = degp[NP:].reshape(1, NP)

    gpc1, sc1, dinv = _tc1(xp, W1, b1r, p0, p1)

    Wstack = jnp.stack([W23, jnp.zeros_like(W23)])
    bstack = jnp.stack([b23, jnp.zeros_like(b23)])

    def step(carry, wb):
        gpc, sc_in = carry
        W, br = wb
        acc = _sc_pass(gpc.reshape(4 * NP, DQ), src4, dst2d, zrows)
        gpc_n, sc_n, o = _tc_step(acc, sc_in, dinv, W, br)
        return (gpc_n, sc_n), o

    (_, _), os = lax.scan(step, (gpc1, sc1), (Wstack, bstack))
    out = os[1]
    return out[:N, :D], out[:N, D:]

# --- scband reference (transcript-rebuilt; emitter-appended) ---
"""Pipeline reference for scband-encoder-77773267796720 (READ-ONLY COPY).

The authoritative reference and input builder live on the scoring server;
editing this copy changes nothing except your own understanding.
"""

import jax, jax.numpy as jnp
import numpy as np

N_NODES = 10000
N_EDGES = 320000
D_IN = 128
D_OUT = 128
D_HID = 2 * D_OUT


def setup_inputs(seed: int = 0) -> dict:
    key = jax.random.key(seed)
    ks = jax.random.split(key, 8)
    x = jax.random.normal(ks[0], (N_NODES, D_IN), dtype=jnp.float32)
    edge_index = jax.random.randint(ks[1], (2, N_EDGES), 0, N_NODES, dtype=jnp.int32)
    W1 = jax.random.normal(ks[2], (D_IN, D_HID), dtype=jnp.float32) / np.sqrt(D_IN)
    b1 = jnp.zeros((D_HID,), dtype=jnp.float32)
    Wmu = jax.random.normal(ks[3], (D_HID, D_OUT), dtype=jnp.float32) / np.sqrt(D_HID)
    bmu = jnp.zeros((D_OUT,), dtype=jnp.float32)
    Wls = jax.random.normal(ks[4], (D_HID, D_OUT), dtype=jnp.float32) / np.sqrt(D_HID)
    bls = jnp.zeros((D_OUT,), dtype=jnp.float32)
    return {"x": x, "edge_index": edge_index, "W1": W1, "b1": b1,
            "Wmu": Wmu, "bmu": bmu, "Wls": Wls, "bls": bls}


def reference(x, edge_index, W1, b1, Wmu, bmu, Wls, bls):
    N = x.shape[0]
    loop = jnp.arange(N, dtype=edge_index.dtype)
    # GCNConv default: add self-loops, symmetric normalization
    src = jnp.concatenate([edge_index[0], loop])
    dst = jnp.concatenate([edge_index[1], loop])
    deg = jax.ops.segment_sum(jnp.ones_like(src, dtype=x.dtype), dst, num_segments=N)
    dinv = jnp.where(deg > 0, deg ** -0.5, 0.0)
    norm = dinv[src] * dinv[dst]

    def conv(h, W, b):
        hw = h @ W
        msg = hw[src] * norm[:, None]
        return jax.ops.segment_sum(msg, dst, num_segments=N) + b

    h = jax.nn.relu(conv(x, W1, b1))
    mu = conv(h, Wmu, bmu)
    logstd = conv(h, Wls, bls)
    return (mu, logstd)

if __name__ == "__main__":
    import jax
    _d = setup_inputs()
    print(jax.jit(kernel)(*tuple(_d.values())))

</pallas_src>

<mosaic_0001>
#map = affine_map<(d0, d1) -> (0, 0)>
#map1 = affine_map<(d0, d1) -> (0, 0, 0)>
module attributes {stable_mosaic.version = 14 : i64} {
  func.func @_sc_pass(%arg0: i32, %arg1: i32, %arg2: memref<40960x64xf32, #tpu.memory_space<hbm>>, %arg3: memref<4x2560x128xi32, #tpu.memory_space<hbm>>, %arg4: memref<2560x128xi32, #tpu.memory_space<hbm>>, %arg5: memref<640x64xf32, #tpu.memory_space<hbm>>, %arg6: memref<4x10240x64xf32, #tpu.memory_space<hbm>>, %arg7: memref<80x128xi32, #tpu.memory_space<vmem>>, %arg8: memref<80x128xi32, #tpu.memory_space<vmem>>, %arg9: memref<128x64xf32, #tpu.memory_space<vmem>>, %arg10: memref<128x64xf32, #tpu.memory_space<vmem>>, %arg11: memref<20480x64xf32, #tpu.memory_space<vmem_shared>>, %arg12: memref<!tpu.dma_semaphore, #tpu.memory_space<semaphore_mem>>, %arg13: memref<!tpu.dma_semaphore, #tpu.memory_space<semaphore_mem>>) attributes {dimension_semantics = [#tpu.dimension_semantics<core_parallel>, #tpu.dimension_semantics<subcore_parallel>], iteration_bounds = array<i64: 2, 16>, scalar_prefetch = 0 : i64, scratch_operands = 7 : i64, tpu.core_type = #tpu.core_type<sc_vector_subcore>, window_params = [{transform_indices = #map}, {transform_indices = #map1}, {transform_indices = #map}, {transform_indices = #map}, {transform_indices = #map1}]} {
    %mul3A = arith.constant 2 : i32
    %mul3A_0 = arith.muli %mul3A, %arg0 : i32
    %add3A = arith.constant 0 : i32
    %add3A_1 = arith.addi %mul3A_0, %add3A : i32
    %mul3A_2 = arith.constant 640 : i32
    %mul3A_3 = arith.muli %arg1, %mul3A_2 : i32
    "tpu.region"() ({
      %run_scoped3A = tpu.sem_alloc : memref<!tpu.dma_semaphore, #tpu.memory_space<semaphore_mem>>
      %dma_start3A_103 = arith.constant 0 : i32
      %dma_start3A_104 = tpu.memref_slice %arg11[%mul3A_3, %dma_start3A_103] : memref<20480x64xf32, #tpu.memory_space<vmem_shared>> -> memref<640x64xf32, #tpu.memory_space<vmem_shared>>
      tpu.enqueue_dma source(%arg5 : memref<640x64xf32, #tpu.memory_space<hbm>>) target(%dma_start3A_104 : memref<640x64xf32, #tpu.memory_space<vmem_shared>>) target_semaphore(%run_scoped3A : memref<!tpu.dma_semaphore, #tpu.memory_space<semaphore_mem>>)
      %dma_wait3A = arith.constant 0 : i32
      %dma_wait3A_105 = tpu.memref_slice %arg11[%mul3A_3, %dma_wait3A] : memref<20480x64xf32, #tpu.memory_space<vmem_shared>> -> memref<640x64xf32, #tpu.memory_space<vmem_shared>>
      tpu.wait_dma2 semaphore(%run_scoped3A : memref<!tpu.dma_semaphore, #tpu.memory_space<semaphore_mem>>) src(%arg5 : memref<640x64xf32, #tpu.memory_space<hbm>>) dst(%dma_wait3A_105 : memref<640x64xf32, #tpu.memory_space<vmem_shared>>)
      tpu.yield
    }) : () -> ()
    %barrier3A = arith.constant 0 : index
    tpu.barrier barrier_id(%barrier3A)
    %mul3A_4 = arith.constant 160 : i32
    %mul3A_5 = arith.muli %arg1, %mul3A_4 : i32
    %add3A_6 = arith.constant 0 : i32
    %add3A_7 = arith.addi %mul3A_5, %add3A_6 : i32
    "tpu.region"() ({
      %run_scoped3A = tpu.sem_alloc : memref<!tpu.dma_semaphore, #tpu.memory_space<semaphore_mem>>
      %dma_start3A_103 = arith.constant 0 : i32
      %dma_start3A_104 = tpu.memref_slice %arg3[%add3A_1, %add3A_7, %dma_start3A_103] : memref<4x2560x128xi32, #tpu.memory_space<hbm>> -> memref<1x80x128xi32, #tpu.memory_space<hbm>>
      %dma_start3A_105 = tpu.memref_squeeze %dma_start3A_104 : memref<1x80x128xi32, #tpu.memory_space<hbm>> -> memref<80x128xi32, #tpu.memory_space<hbm>>
      %dma_start3A_106 = arith.constant 0 : i32
      %dma_start3A_107 = tpu.memref_slice %arg3[%add3A_1, %add3A_7, %dma_start3A_106] : memref<4x2560x128xi32, #tpu.memory_space<hbm>> -> memref<1x80x128xi32, #tpu.memory_space<hbm>>
      %dma_start3A_108 = tpu.memref_squeeze %dma_start3A_107 : memref<1x80x128xi32, #tpu.memory_space<hbm>> -> memref<80x128xi32, #tpu.memory_space<hbm>>
      tpu.enqueue_dma source(%dma_start3A_108 : memref<80x128xi32, #tpu.memory_space<hbm>>) target(%arg7 : memref<80x128xi32, #tpu.memory_space<vmem>>) target_semaphore(%run_scoped3A : memref<!tpu.dma_semaphore, #tpu.memory_space<semaphore_mem>>)
      %dma_wait3A = arith.constant 0 : i32
      %dma_wait3A_109 = tpu.memref_slice %arg3[%add3A_1, %add3A_7, %dma_wait3A] : memref<4x2560x128xi32, #tpu.memory_space<hbm>> -> memref<1x80x128xi32, #tpu.memory_space<hbm>>
      %dma_wait3A_110 = tpu.memref_squeeze %dma_wait3A_109 : memref<1x80x128xi32, #tpu.memory_space<hbm>> -> memref<80x128xi32, #tpu.memory_space<hbm>>
      %dma_wait3A_111 = arith.constant 0 : i32
      %dma_wait3A_112 = tpu.memref_slice %arg3[%add3A_1, %add3A_7, %dma_wait3A_111] : memref<4x2560x128xi32, #tpu.memory_space<hbm>> -> memref<1x80x128xi32, #tpu.memory_space<hbm>>
      %dma_wait3A_113 = tpu.memref_squeeze %dma_wait3A_112 : memref<1x80x128xi32, #tpu.memory_space<hbm>> -> memref<80x128xi32, #tpu.memory_space<hbm>>
      tpu.wait_dma2 semaphore(%run_scoped3A : memref<!tpu.dma_semaphore, #tpu.memory_space<semaphore_mem>>) src(%dma_wait3A_113 : memref<80x128xi32, #tpu.memory_space<hbm>>) dst(%arg7 : memref<80x128xi32, #tpu.memory_space<vmem>>)
      tpu.yield
    }) : () -> ()
    %mul3A_8 = arith.constant 160 : i32
    %mul3A_9 = arith.muli %arg1, %mul3A_8 : i32
    %add3A_10 = arith.constant 0 : i32
    %add3A_11 = arith.addi %mul3A_9, %add3A_10 : i32
    "tpu.region"() ({
      %run_scoped3A = tpu.sem_alloc : memref<!tpu.dma_semaphore, #tpu.memory_space<semaphore_mem>>
      %dma_start3A_103 = arith.constant 0 : i32
      %dma_start3A_104 = tpu.memref_slice %arg4[%add3A_11, %dma_start3A_103] : memref<2560x128xi32, #tpu.memory_space<hbm>> -> memref<80x128xi32, #tpu.memory_space<hbm>>
      %dma_start3A_105 = arith.constant 0 : i32
      %dma_start3A_106 = tpu.memref_slice %arg4[%add3A_11, %dma_start3A_105] : memref<2560x128xi32, #tpu.memory_space<hbm>> -> memref<80x128xi32, #tpu.memory_space<hbm>>
      tpu.enqueue_dma source(%dma_start3A_106 : memref<80x128xi32, #tpu.memory_space<hbm>>) target(%arg8 : memref<80x128xi32, #tpu.memory_space<vmem>>) target_semaphore(%run_scoped3A : memref<!tpu.dma_semaphore, #tpu.memory_space<semaphore_mem>>)
      %dma_wait3A = arith.constant 0 : i32
      %dma_wait3A_107 = tpu.memref_slice %arg4[%add3A_11, %dma_wait3A] : memref<2560x128xi32, #tpu.memory_space<hbm>> -> memref<80x128xi32, #tpu.memory_space<hbm>>
      %dma_wait3A_108 = arith.constant 0 : i32
      %dma_wait3A_109 = tpu.memref_slice %arg4[%add3A_11, %dma_wait3A_108] : memref<2560x128xi32, #tpu.memory_space<hbm>> -> memref<80x128xi32, #tpu.memory_space<hbm>>
      tpu.wait_dma2 semaphore(%run_scoped3A : memref<!tpu.dma_semaphore, #tpu.memory_space<semaphore_mem>>) src(%dma_wait3A_109 : memref<80x128xi32, #tpu.memory_space<hbm>>) dst(%arg8 : memref<80x128xi32, #tpu.memory_space<vmem>>)
      tpu.yield
    }) : () -> ()
    %dma_start3A = arith.constant 0 : i32
    %dma_start3A_12 = arith.constant 0 : i32
    %dma_start3A_13 = tpu.memref_slice %arg7[%dma_start3A, %dma_start3A_12] : memref<80x128xi32, #tpu.memory_space<vmem>> -> memref<1x128xi32, #tpu.memory_space<vmem>>
    %dma_start3A_14 = tpu.memref_squeeze %dma_start3A_13 : memref<1x128xi32, #tpu.memory_space<vmem>> -> memref<128xi32, #tpu.memory_space<vmem>>
    %dma_start3A_15 = arith.constant 0 : i32
    %dma_start3A_16 = arith.constant 0 : i32
    %dma_start3A_17 = tpu.memref_slice %arg2[%dma_start3A_15, %dma_start3A_16] : memref<40960x64xf32, #tpu.memory_space<hbm>> -> memref<40960x64xf32, #tpu.memory_space<hbm>>
    tpu.enqueue_indirect_dma source(%dma_start3A_17 : memref<40960x64xf32, #tpu.memory_space<hbm>>) target(%arg9 : memref<128x64xf32, #tpu.memory_space<vmem>>) offsets(%dma_start3A_14 : memref<128xi32, #tpu.memory_space<vmem>>) semaphore(%arg12 : memref<!tpu.dma_semaphore, #tpu.memory_space<semaphore_mem>>)
    %scan3A = arith.constant 0 : i32
    %scan3A_18 = arith.constant 0 : i32
    %scan3A_19 = arith.constant 40 : i32
    %scan3A_20 = arith.addi %scan3A_18, %scan3A_19 : i32
    %scan3A_21 = arith.constant 1 : i32
    scf.for %scan3A_103 = %scan3A_18 to %scan3A_20 step %scan3A_21  : i32 {
      %mul3A_104 = arith.constant 2 : i32
      %mul3A_105 = arith.muli %mul3A_104, %scan3A_103 : i32
      %add3A_106 = arith.constant 1 : i32
      %add3A_107 = arith.addi %mul3A_105, %add3A_106 : i32
      %dma_start3A_108 = arith.constant 0 : i32
      %dma_start3A_109 = tpu.memref_slice %arg7[%add3A_107, %dma_start3A_108] : memref<80x128xi32, #tpu.memory_space<vmem>> -> memref<1x128xi32, #tpu.memory_space<vmem>>
      %dma_start3A_110 = tpu.memref_squeeze %dma_start3A_109 : memref<1x128xi32, #tpu.memory_space<vmem>> -> memref<128xi32, #tpu.memory_space<vmem>>
      %dma_start3A_111 = arith.constant 0 : i32
      %dma_start3A_112 = arith.constant 0 : i32
      %dma_start3A_113 = tpu.memref_slice %arg2[%dma_start3A_111, %dma_start3A_112] : memref<40960x64xf32, #tpu.memory_space<hbm>> -> memref<40960x64xf32, #tpu.memory_space<hbm>>
      tpu.enqueue_indirect_dma source(%dma_start3A_113 : memref<40960x64xf32, #tpu.memory_space<hbm>>) target(%arg10 : memref<128x64xf32, #tpu.memory_space<vmem>>) offsets(%dma_start3A_110 : memref<128xi32, #tpu.memory_space<vmem>>) semaphore(%arg13 : memref<!tpu.dma_semaphore, #tpu.memory_space<semaphore_mem>>)
      %dma_wait3A = arith.constant 0 : i32
      %dma_wait3A_114 = tpu.memref_slice %arg7[%mul3A_105, %dma_wait3A] : memref<80x128xi32, #tpu.memory_space<vmem>> -> memref<1x128xi32, #tpu.memory_space<vmem>>
      %dma_wait3A_115 = tpu.memref_squeeze %dma_wait3A_114 : memref<1x128xi32, #tpu.memory_space<vmem>> -> memref<128xi32, #tpu.memory_space<vmem>>
      %dma_wait3A_116 = arith.constant 0 : i32
      %dma_wait3A_117 = arith.constant 0 : i32
      %dma_wait3A_118 = tpu.memref_slice %arg2[%dma_wait3A_116, %dma_wait3A_117] : memref<40960x64xf32, #tpu.memory_space<hbm>> -> memref<40960x64xf32, #tpu.memory_space<hbm>>
      tpu.wait_indirect_dma semaphore(%arg12 : memref<!tpu.dma_semaphore, #tpu.memory_space<semaphore_mem>>) src(%dma_wait3A_118 : memref<40960x64xf32, #tpu.memory_space<hbm>>) dst(%arg9 : memref<128x64xf32, #tpu.memory_space<vmem>>)
      "tpu.region"() ({
        %run_scoped3A = tpu.sem_alloc : memref<!tpu.dma_semaphore, #tpu.memory_space<semaphore_mem>>
        %dma_start3A_133 = arith.constant 0 : i32
        %dma_start3A_134 = tpu.memref_slice %arg8[%mul3A_105, %dma_start3A_133] : memref<80x128xi32, #tpu.memory_space<vmem>> -> memref<1x128xi32, #tpu.memory_space<vmem>>
        %dma_start3A_135 = tpu.memref_squeeze %dma_start3A_134 : memref<1x128xi32, #tpu.memory_space<vmem>> -> memref<128xi32, #tpu.memory_space<vmem>>
        %dma_start3A_136 = arith.constant 0 : i32
        %dma_start3A_137 = arith.constant 0 : i32
        %dma_start3A_138 = tpu.memref_slice %arg11[%dma_start3A_136, %dma_start3A_137] : memref<20480x64xf32, #tpu.memory_space<vmem_shared>> -> memref<20480x64xf32, #tpu.memory_space<vmem_shared>>
        tpu.enqueue_indirect_dma source(%arg9 : memref<128x64xf32, #tpu.memory_space<vmem>>) target(%dma_start3A_138 : memref<20480x64xf32, #tpu.memory_space<vmem_shared>>) offsets(%dma_start3A_135 : memref<128xi32, #tpu.memory_space<vmem>>) semaphore(%run_scoped3A : memref<!tpu.dma_semaphore, #tpu.memory_space<semaphore_mem>>) {add = true}
        %dma_wait3A_139 = arith.constant 0 : i32
        %dma_wait3A_140 = tpu.memref_slice %arg8[%mul3A_105, %dma_wait3A_139] : memref<80x128xi32, #tpu.memory_space<vmem>> -> memref<1x128xi32, #tpu.memory_space<vmem>>
        %dma_wait3A_141 = tpu.memref_squeeze %dma_wait3A_140 : memref<1x128xi32, #tpu.memory_space<vmem>> -> memref<128xi32, #tpu.memory_space<vmem>>
        %dma_wait3A_142 = arith.constant 0 : i32
        %dma_wait3A_143 = arith.constant 0 : i32
        %dma_wait3A_144 = tpu.memref_slice %arg11[%dma_wait3A_142, %dma_wait3A_143] : memref<20480x64xf32, #tpu.memory_space<vmem_shared>> -> memref<20480x64xf32, #tpu.memory_space<vmem_shared>>
        tpu.wait_indirect_dma semaphore(%run_scoped3A : memref<!tpu.dma_semaphore, #tpu.memory_space<semaphore_mem>>) src(%arg9 : memref<128x64xf32, #tpu.memory_space<vmem>>) dst(%dma_wait3A_144 : memref<20480x64xf32, #tpu.memory_space<vmem_shared>>)
        tpu.yield
      }) : () -> ()
      %add3A_119 = arith.constant 2 : i32
      %add3A_120 = arith.addi %mul3A_105, %add3A_119 : i32
      %lt3A = arith.constant 80 : i32
      %lt3A_121 = arith.cmpi slt, %add3A_120, %lt3A : i32
      %convert_element_type3A = arith.extui %lt3A_121 : i1 to i32
      %cond3A = arith.constant 0 : i32
      %cond3A_122 = arith.cmpi ne, %convert_element_type3A, %cond3A : i32
      scf.if %cond3A_122 {
        %add3A_133 = arith.constant 2 : i32
        %add3A_134 = arith.addi %mul3A_105, %add3A_133 : i32
        %dma_start3A_135 = arith.constant 0 : i32
        %dma_start3A_136 = tpu.memref_slice %arg7[%add3A_134, %dma_start3A_135] : memref<80x128xi32, #tpu.memory_space<vmem>> -> memref<1x128xi32, #tpu.memory_space<vmem>>
        %dma_start3A_137 = tpu.memref_squeeze %dma_start3A_136 : memref<1x128xi32, #tpu.memory_space<vmem>> -> memref<128xi32, #tpu.memory_space<vmem>>
        %dma_start3A_138 = arith.constant 0 : i32
        %dma_start3A_139 = arith.constant 0 : i32
        %dma_start3A_140 = tpu.memref_slice %arg2[%dma_start3A_138, %dma_start3A_139] : memref<40960x64xf32, #tpu.memory_space<hbm>> -> memref<40960x64xf32, #tpu.memory_space<hbm>>
        tpu.enqueue_indirect_dma source(%dma_start3A_140 : memref<40960x64xf32, #tpu.memory_space<hbm>>) target(%arg9 : memref<128x64xf32, #tpu.memory_space<vmem>>) offsets(%dma_start3A_137 : memref<128xi32, #tpu.memory_space<vmem>>) semaphore(%arg12 : memref<!tpu.dma_semaphore, #tpu.memory_space<semaphore_mem>>)
      } else {
      }
      %add3A_123 = arith.constant 1 : i32
      %add3A_124 = arith.addi %mul3A_105, %add3A_123 : i32
      %dma_wait3A_125 = arith.constant 0 : i32
      %dma_wait3A_126 = tpu.memref_slice %arg7[%add3A_124, %dma_wait3A_125] : memref<80x128xi32, #tpu.memory_space<vmem>> -> memref<1x128xi32, #tpu.memory_space<vmem>>
      %dma_wait3A_127 = tpu.memref_squeeze %dma_wait3A_126 : memref<1x128xi32, #tpu.memory_space<vmem>> -> memref<128xi32, #tpu.memory_space<vmem>>
      %dma_wait3A_128 = arith.constant 0 : i32
      %dma_wait3A_129 = arith.constant 0 : i32
      %dma_wait3A_130 = tpu.memref_slice %arg2[%dma_wait3A_128, %dma_wait3A_129] : memref<40960x64xf32, #tpu.memory_space<hbm>> -> memref<40960x64xf32, #tpu.memory_space<hbm>>
      tpu.wait_indirect_dma semaphore(%arg13 : memref<!tpu.dma_semaphore, #tpu.memory_space<semaphore_mem>>) src(%dma_wait3A_130 : memref<40960x64xf32, #tpu.memory_space<hbm>>) dst(%arg10 : memref<128x64xf32, #tpu.memory_space<vmem>>)
      %add3A_131 = arith.constant 1 : i32
      %add3A_132 = arith.addi %mul3A_105, %add3A_131 : i32
      "tpu.region"() ({
        %run_scoped3A = tpu.sem_alloc : memref<!tpu.dma_semaphore, #tpu.memory_space<semaphore_mem>>
        %dma_start3A_133 = arith.constant 0 : i32
        %dma_start3A_134 = tpu.memref_slice %arg8[%add3A_132, %dma_start3A_133] : memref<80x128xi32, #tpu.memory_space<vmem>> -> memref<1x128xi32, #tpu.memory_space<vmem>>
        %dma_start3A_135 = tpu.memref_squeeze %dma_start3A_134 : memref<1x128xi32, #tpu.memory_space<vmem>> -> memref<128xi32, #tpu.memory_space<vmem>>
        %dma_start3A_136 = arith.constant 0 : i32
        %dma_start3A_137 = arith.constant 0 : i32
        %dma_start3A_138 = tpu.memref_slice %arg11[%dma_start3A_136, %dma_start3A_137] : memref<20480x64xf32, #tpu.memory_space<vmem_shared>> -> memref<20480x64xf32, #tpu.memory_space<vmem_shared>>
        tpu.enqueue_indirect_dma source(%arg10 : memref<128x64xf32, #tpu.memory_space<vmem>>) target(%dma_start3A_138 : memref<20480x64xf32, #tpu.memory_space<vmem_shared>>) offsets(%dma_start3A_135 : memref<128xi32, #tpu.memory_space<vmem>>) semaphore(%run_scoped3A : memref<!tpu.dma_semaphore, #tpu.memory_space<semaphore_mem>>) {add = true}
        %dma_wait3A_139 = arith.constant 0 : i32
        %dma_wait3A_140 = tpu.memref_slice %arg8[%add3A_132, %dma_wait3A_139] : memref<80x128xi32, #tpu.memory_space<vmem>> -> memref<1x128xi32, #tpu.memory_space<vmem>>
        %dma_wait3A_141 = tpu.memref_squeeze %dma_wait3A_140 : memref<1x128xi32, #tpu.memory_space<vmem>> -> memref<128xi32, #tpu.memory_space<vmem>>
        %dma_wait3A_142 = arith.constant 0 : i32
        %dma_wait3A_143 = arith.constant 0 : i32
        %dma_wait3A_144 = tpu.memref_slice %arg11[%dma_wait3A_142, %dma_wait3A_143] : memref<20480x64xf32, #tpu.memory_space<vmem_shared>> -> memref<20480x64xf32, #tpu.memory_space<vmem_shared>>
        tpu.wait_indirect_dma semaphore(%run_scoped3A : memref<!tpu.dma_semaphore, #tpu.memory_space<semaphore_mem>>) src(%arg10 : memref<128x64xf32, #tpu.memory_space<vmem>>) dst(%dma_wait3A_144 : memref<20480x64xf32, #tpu.memory_space<vmem_shared>>)
        tpu.yield
      }) : () -> ()
    }
    %scan3A_22 = arith.constant 40 : i32
    %mul3A_23 = arith.constant 160 : i32
    %mul3A_24 = arith.muli %arg1, %mul3A_23 : i32
    %add3A_25 = arith.constant 80 : i32
    %add3A_26 = arith.addi %mul3A_24, %add3A_25 : i32
    "tpu.region"() ({
      %run_scoped3A = tpu.sem_alloc : memref<!tpu.dma_semaphore, #tpu.memory_space<semaphore_mem>>
      %dma_start3A_103 = arith.constant 0 : i32
      %dma_start3A_104 = tpu.memref_slice %arg3[%add3A_1, %add3A_26, %dma_start3A_103] : memref<4x2560x128xi32, #tpu.memory_space<hbm>> -> memref<1x80x128xi32, #tpu.memory_space<hbm>>
      %dma_start3A_105 = tpu.memref_squeeze %dma_start3A_104 : memref<1x80x128xi32, #tpu.memory_space<hbm>> -> memref<80x128xi32, #tpu.memory_space<hbm>>
      %dma_start3A_106 = arith.constant 0 : i32
      %dma_start3A_107 = tpu.memref_slice %arg3[%add3A_1, %add3A_26, %dma_start3A_106] : memref<4x2560x128xi32, #tpu.memory_space<hbm>> -> memref<1x80x128xi32, #tpu.memory_space<hbm>>
      %dma_start3A_108 = tpu.memref_squeeze %dma_start3A_107 : memref<1x80x128xi32, #tpu.memory_space<hbm>> -> memref<80x128xi32, #tpu.memory_space<hbm>>
      tpu.enqueue_dma source(%dma_start3A_108 : memref<80x128xi32, #tpu.memory_space<hbm>>) target(%arg7 : memref<80x128xi32, #tpu.memory_space<vmem>>) target_semaphore(%run_scoped3A : memref<!tpu.dma_semaphore, #tpu.memory_space<semaphore_mem>>)
      %dma_wait3A = arith.constant 0 : i32
      %dma_wait3A_109 = tpu.memref_slice %arg3[%add3A_1, %add3A_26, %dma_wait3A] : memref<4x2560x128xi32, #tpu.memory_space<hbm>> -> memref<1x80x128xi32, #tpu.memory_space<hbm>>
      %dma_wait3A_110 = tpu.memref_squeeze %dma_wait3A_109 : memref<1x80x128xi32, #tpu.memory_space<hbm>> -> memref<80x128xi32, #tpu.memory_space<hbm>>
      %dma_wait3A_111 = arith.constant 0 : i32
      %dma_wait3A_112 = tpu.memref_slice %arg3[%add3A_1, %add3A_26, %dma_wait3A_111] : memref<4x2560x128xi32, #tpu.memory_space<hbm>> -> memref<1x80x128xi32, #tpu.memory_space<hbm>>
      %dma_wait3A_113 = tpu.memref_squeeze %dma_wait3A_112 : memref<1x80x128xi32, #tpu.memory_space<hbm>> -> memref<80x128xi32, #tpu.memory_space<hbm>>
      tpu.wait_dma2 semaphore(%run_scoped3A : memref<!tpu.dma_semaphore, #tpu.memory_space<semaphore_mem>>) src(%dma_wait3A_113 : memref<80x128xi32, #tpu.memory_space<hbm>>) dst(%arg7 : memref<80x128xi32, #tpu.memory_space<vmem>>)
      tpu.yield
    }) : () -> ()
    %mul3A_27 = arith.constant 160 : i32
    %mul3A_28 = arith.muli %arg1, %mul3A_27 : i32
    %add3A_29 = arith.constant 80 : i32
    %add3A_30 = arith.addi %mul3A_28, %add3A_29 : i32
    "tpu.region"() ({
      %run_scoped3A = tpu.sem_alloc : memref<!tpu.dma_semaphore, #tpu.memory_space<semaphore_mem>>
      %dma_start3A_103 = arith.constant 0 : i32
      %dma_start3A_104 = tpu.memref_slice %arg4[%add3A_30, %dma_start3A_103] : memref<2560x128xi32, #tpu.memory_space<hbm>> -> memref<80x128xi32, #tpu.memory_space<hbm>>
      %dma_start3A_105 = arith.constant 0 : i32
      %dma_start3A_106 = tpu.memref_slice %arg4[%add3A_30, %dma_start3A_105] : memref<2560x128xi32, #tpu.memory_space<hbm>> -> memref<80x128xi32, #tpu.memory_space<hbm>>
      tpu.enqueue_dma source(%dma_start3A_106 : memref<80x128xi32, #tpu.memory_space<hbm>>) target(%arg8 : memref<80x128xi32, #tpu.memory_space<vmem>>) target_semaphore(%run_scoped3A : memref<!tpu.dma_semaphore, #tpu.memory_space<semaphore_mem>>)
      %dma_wait3A = arith.constant 0 : i32
      %dma_wait3A_107 = tpu.memref_slice %arg4[%add3A_30, %dma_wait3A] : memref<2560x128xi32, #tpu.memory_space<hbm>> -> memref<80x128xi32, #tpu.memory_space<hbm>>
      %dma_wait3A_108 = arith.constant 0 : i32
      %dma_wait3A_109 = tpu.memref_slice %arg4[%add3A_30, %dma_wait3A_108] : memref<2560x128xi32, #tpu.memory_space<hbm>> -> memref<80x128xi32, #tpu.memory_space<hbm>>
      tpu.wait_dma2 semaphore(%run_scoped3A : memref<!tpu.dma_semaphore, #tpu.memory_space<semaphore_mem>>) src(%dma_wait3A_109 : memref<80x128xi32, #tpu.memory_space<hbm>>) dst(%arg8 : memref<80x128xi32, #tpu.memory_space<vmem>>)
      tpu.yield
    }) : () -> ()
    %dma_start3A_31 = arith.constant 0 : i32
    %dma_start3A_32 = arith.constant 0 : i32
    %dma_start3A_33 = tpu.memref_slice %arg7[%dma_start3A_31, %dma_start3A_32] : memref<80x128xi32, #tpu.memory_space<vmem>> -> memref<1x128xi32, #tpu.memory_space<vmem>>
    %dma_start3A_34 = tpu.memref_squeeze %dma_start3A_33 : memref<1x128xi32, #tpu.memory_space<vmem>> -> memref<128xi32, #tpu.memory_space<vmem>>
    %dma_start3A_35 = arith.constant 0 : i32
    %dma_start3A_36 = arith.constant 0 : i32
    %dma_start3A_37 = tpu.memref_slice %arg2[%dma_start3A_35, %dma_start3A_36] : memref<40960x64xf32, #tpu.memory_space<hbm>> -> memref<40960x64xf32, #tpu.memory_space<hbm>>
    tpu.enqueue_indirect_dma source(%dma_start3A_37 : memref<40960x64xf32, #tpu.memory_space<hbm>>) target(%arg9 : memref<128x64xf32, #tpu.memory_space<vmem>>) offsets(%dma_start3A_34 : memref<128xi32, #tpu.memory_space<vmem>>) semaphore(%arg12 : memref<!tpu.dma_semaphore, #tpu.memory_space<semaphore_mem>>)
    %scan3A_38 = arith.constant 0 : i32
    %scan3A_39 = arith.constant 0 : i32
    %scan3A_40 = arith.constant 40 : i32
    %scan3A_41 = arith.addi %scan3A_39, %scan3A_40 : i32
    %scan3A_42 = arith.constant 1 : i32
    scf.for %scan3A_103 = %scan3A_39 to %scan3A_41 step %scan3A_42  : i32 {
      %mul3A_104 = arith.constant 2 : i32
      %mul3A_105 = arith.muli %mul3A_104, %scan3A_103 : i32
      %add3A_106 = arith.constant 1 : i32
      %add3A_107 = arith.addi %mul3A_105, %add3A_106 : i32
      %dma_start3A_108 = arith.constant 0 : i32
      %dma_start3A_109 = tpu.memref_slice %arg7[%add3A_107, %dma_start3A_108] : memref<80x128xi32, #tpu.memory_space<vmem>> -> memref<1x128xi32, #tpu.memory_space<vmem>>
      %dma_start3A_110 = tpu.memref_squeeze %dma_start3A_109 : memref<1x128xi32, #tpu.memory_space<vmem>> -> memref<128xi32, #tpu.memory_space<vmem>>
      %dma_start3A_111 = arith.constant 0 : i32
      %dma_start3A_112 = arith.constant 0 : i32
      %dma_start3A_113 = tpu.memref_slice %arg2[%dma_start3A_111, %dma_start3A_112] : memref<40960x64xf32, #tpu.memory_space<hbm>> -> memref<40960x64xf32, #tpu.memory_space<hbm>>
      tpu.enqueue_indirect_dma source(%dma_start3A_113 : memref<40960x64xf32, #tpu.memory_space<hbm>>) target(%arg10 : memref<128x64xf32, #tpu.memory_space<vmem>>) offsets(%dma_start3A_110 : memref<128xi32, #tpu.memory_space<vmem>>) semaphore(%arg13 : memref<!tpu.dma_semaphore, #tpu.memory_space<semaphore_mem>>)
      %dma_wait3A = arith.constant 0 : i32
      %dma_wait3A_114 = tpu.memref_slice %arg7[%mul3A_105, %dma_wait3A] : memref<80x128xi32, #tpu.memory_space<vmem>> -> memref<1x128xi32, #tpu.memory_space<vmem>>
      %dma_wait3A_115 = tpu.memref_squeeze %dma_wait3A_114 : memref<1x128xi32, #tpu.memory_space<vmem>> -> memref<128xi32, #tpu.memory_space<vmem>>
      %dma_wait3A_116 = arith.constant 0 : i32
      %dma_wait3A_117 = arith.constant 0 : i32
      %dma_wait3A_118 = tpu.memref_slice %arg2[%dma_wait3A_116, %dma_wait3A_117] : memref<40960x64xf32, #tpu.memory_space<hbm>> -> memref<40960x64xf32, #tpu.memory_space<hbm>>
      tpu.wait_indirect_dma semaphore(%arg12 : memref<!tpu.dma_semaphore, #tpu.memory_space<semaphore_mem>>) src(%dma_wait3A_118 : memref<40960x64xf32, #tpu.memory_space<hbm>>) dst(%arg9 : memref<128x64xf32, #tpu.memory_space<vmem>>)
      "tpu.region"() ({
        %run_scoped3A = tpu.sem_alloc : memref<!tpu.dma_semaphore, #tpu.memory_space<semaphore_mem>>
        %dma_start3A_133 = arith.constant 0 : i32
        %dma_start3A_134 = tpu.memref_slice %arg8[%mul3A_105, %dma_start3A_133] : memref<80x128xi32, #tpu.memory_space<vmem>> -> memref<1x128xi32, #tpu.memory_space<vmem>>
        %dma_start3A_135 = tpu.memref_squeeze %dma_start3A_134 : memref<1x128xi32, #tpu.memory_space<vmem>> -> memref<128xi32, #tpu.memory_space<vmem>>
        %dma_start3A_136 = arith.constant 0 : i32
        %dma_start3A_137 = arith.constant 0 : i32
        %dma_start3A_138 = tpu.memref_slice %arg11[%dma_start3A_136, %dma_start3A_137] : memref<20480x64xf32, #tpu.memory_space<vmem_shared>> -> memref<20480x64xf32, #tpu.memory_space<vmem_shared>>
        tpu.enqueue_indirect_dma source(%arg9 : memref<128x64xf32, #tpu.memory_space<vmem>>) target(%dma_start3A_138 : memref<20480x64xf32, #tpu.memory_space<vmem_shared>>) offsets(%dma_start3A_135 : memref<128xi32, #tpu.memory_space<vmem>>) semaphore(%run_scoped3A : memref<!tpu.dma_semaphore, #tpu.memory_space<semaphore_mem>>) {add = true}
        %dma_wait3A_139 = arith.constant 0 : i32
        %dma_wait3A_140 = tpu.memref_slice %arg8[%mul3A_105, %dma_wait3A_139] : memref<80x128xi32, #tpu.memory_space<vmem>> -> memref<1x128xi32, #tpu.memory_space<vmem>>
        %dma_wait3A_141 = tpu.memref_squeeze %dma_wait3A_140 : memref<1x128xi32, #tpu.memory_space<vmem>> -> memref<128xi32, #tpu.memory_space<vmem>>
        %dma_wait3A_142 = arith.constant 0 : i32
        %dma_wait3A_143 = arith.constant 0 : i32
        %dma_wait3A_144 = tpu.memref_slice %arg11[%dma_wait3A_142, %dma_wait3A_143] : memref<20480x64xf32, #tpu.memory_space<vmem_shared>> -> memref<20480x64xf32, #tpu.memory_space<vmem_shared>>
        tpu.wait_indirect_dma semaphore(%run_scoped3A : memref<!tpu.dma_semaphore, #tpu.memory_space<semaphore_mem>>) src(%arg9 : memref<128x64xf32, #tpu.memory_space<vmem>>) dst(%dma_wait3A_144 : memref<20480x64xf32, #tpu.memory_space<vmem_shared>>)
        tpu.yield
      }) : () -> ()
      %add3A_119 = arith.constant 2 : i32
      %add3A_120 = arith.addi %mul3A_105, %add3A_119 : i32
      %lt3A = arith.constant 80 : i32
      %lt3A_121 = arith.cmpi slt, %add3A_120, %lt3A : i32
      %convert_element_type3A = arith.extui %lt3A_121 : i1 to i32
      %cond3A = arith.constant 0 : i32
      %cond3A_122 = arith.cmpi ne, %convert_element_type3A, %cond3A : i32
      scf.if %cond3A_122 {
        %add3A_133 = arith.constant 2 : i32
        %add3A_134 = arith.addi %mul3A_105, %add3A_133 : i32
        %dma_start3A_135 = arith.constant 0 : i32
        %dma_start3A_136 = tpu.memref_slice %arg7[%add3A_134, %dma_start3A_135] : memref<80x128xi32, #tpu.memory_space<vmem>> -> memref<1x128xi32, #tpu.memory_space<vmem>>
        %dma_start3A_137 = tpu.memref_squeeze %dma_start3A_136 : memref<1x128xi32, #tpu.memory_space<vmem>> -> memref<128xi32, #tpu.memory_space<vmem>>
        %dma_start3A_138 = arith.constant 0 : i32
        %dma_start3A_139 = arith.constant 0 : i32
        %dma_start3A_140 = tpu.memref_slice %arg2[%dma_start3A_138, %dma_start3A_139] : memref<40960x64xf32, #tpu.memory_space<hbm>> -> memref<40960x64xf32, #tpu.memory_space<hbm>>
        tpu.enqueue_indirect_dma source(%dma_start3A_140 : memref<40960x64xf32, #tpu.memory_space<hbm>>) target(%arg9 : memref<128x64xf32, #tpu.memory_space<vmem>>) offsets(%dma_start3A_137 : memref<128xi32, #tpu.memory_space<vmem>>) semaphore(%arg12 : memref<!tpu.dma_semaphore, #tpu.memory_space<semaphore_mem>>)
      } else {
      }
      %add3A_123 = arith.constant 1 : i32
      %add3A_124 = arith.addi %mul3A_105, %add3A_123 : i32
      %dma_wait3A_125 = arith.constant 0 : i32
      %dma_wait3A_126 = tpu.memref_slice %arg7[%add3A_124, %dma_wait3A_125] : memref<80x128xi32, #tpu.memory_space<vmem>> -> memref<1x128xi32, #tpu.memory_space<vmem>>
      %dma_wait3A_127 = tpu.memref_squeeze %dma_wait3A_126 : memref<1x128xi32, #tpu.memory_space<vmem>> -> memref<128xi32, #tpu.memory_space<vmem>>
      %dma_wait3A_128 = arith.constant 0 : i32
      %dma_wait3A_129 = arith.constant 0 : i32
      %dma_wait3A_130 = tpu.memref_slice %arg2[%dma_wait3A_128, %dma_wait3A_129] : memref<40960x64xf32, #tpu.memory_space<hbm>> -> memref<40960x64xf32, #tpu.memory_space<hbm>>
      tpu.wait_indirect_dma semaphore(%arg13 : memref<!tpu.dma_semaphore, #tpu.memory_space<semaphore_mem>>) src(%dma_wait3A_130 : memref<40960x64xf32, #tpu.memory_space<hbm>>) dst(%arg10 : memref<128x64xf32, #tpu.memory_space<vmem>>)
      %add3A_131 = arith.constant 1 : i32
      %add3A_132 = arith.addi %mul3A_105, %add3A_131 : i32
      "tpu.region"() ({
        %run_scoped3A = tpu.sem_alloc : memref<!tpu.dma_semaphore, #tpu.memory_space<semaphore_mem>>
        %dma_start3A_133 = arith.constant 0 : i32
        %dma_start3A_134 = tpu.memref_slice %arg8[%add3A_132, %dma_start3A_133] : memref<80x128xi32, #tpu.memory_space<vmem>> -> memref<1x128xi32, #tpu.memory_space<vmem>>
        %dma_start3A_135 = tpu.memref_squeeze %dma_start3A_134 : memref<1x128xi32, #tpu.memory_space<vmem>> -> memref<128xi32, #tpu.memory_space<vmem>>
        %dma_start3A_136 = arith.constant 0 : i32
        %dma_start3A_137 = arith.constant 0 : i32
        %dma_start3A_138 = tpu.memref_slice %arg11[%dma_start3A_136, %dma_start3A_137] : memref<20480x64xf32, #tpu.memory_space<vmem_shared>> -> memref<20480x64xf32, #tpu.memory_space<vmem_shared>>
        tpu.enqueue_indirect_dma source(%arg10 : memref<128x64xf32, #tpu.memory_space<vmem>>) target(%dma_start3A_138 : memref<20480x64xf32, #tpu.memory_space<vmem_shared>>) offsets(%dma_start3A_135 : memref<128xi32, #tpu.memory_space<vmem>>) semaphore(%run_scoped3A : memref<!tpu.dma_semaphore, #tpu.memory_space<semaphore_mem>>) {add = true}
        %dma_wait3A_139 = arith.constant 0 : i32
        %dma_wait3A_140 = tpu.memref_slice %arg8[%add3A_132, %dma_wait3A_139] : memref<80x128xi32, #tpu.memory_space<vmem>> -> memref<1x128xi32, #tpu.memory_space<vmem>>
        %dma_wait3A_141 = tpu.memref_squeeze %dma_wait3A_140 : memref<1x128xi32, #tpu.memory_space<vmem>> -> memref<128xi32, #tpu.memory_space<vmem>>
        %dma_wait3A_142 = arith.constant 0 : i32
        %dma_wait3A_143 = arith.constant 0 : i32
        %dma_wait3A_144 = tpu.memref_slice %arg11[%dma_wait3A_142, %dma_wait3A_143] : memref<20480x64xf32, #tpu.memory_space<vmem_shared>> -> memref<20480x64xf32, #tpu.memory_space<vmem_shared>>
        tpu.wait_indirect_dma semaphore(%run_scoped3A : memref<!tpu.dma_semaphore, #tpu.memory_space<semaphore_mem>>) src(%arg10 : memref<128x64xf32, #tpu.memory_space<vmem>>) dst(%dma_wait3A_144 : memref<20480x64xf32, #tpu.memory_space<vmem_shared>>)
        tpu.yield
      }) : () -> ()
    }
    %scan3A_43 = arith.constant 40 : i32
    %barrier3A_44 = arith.constant 0 : index
    tpu.barrier barrier_id(%barrier3A_44)
    %mul3A_45 = arith.constant 640 : i32
    %mul3A_46 = arith.muli %arg1, %mul3A_45 : i32
    %mul3A_47 = arith.constant 640 : i32
    %mul3A_48 = arith.muli %arg1, %mul3A_47 : i32
    "tpu.region"() ({
      %run_scoped3A = tpu.sem_alloc : memref<!tpu.dma_semaphore, #tpu.memory_space<semaphore_mem>>
      %dma_start3A_103 = arith.constant 0 : i32
      %dma_start3A_104 = tpu.memref_slice %arg6[%add3A_1, %mul3A_48, %dma_start3A_103] : memref<4x10240x64xf32, #tpu.memory_space<hbm>> -> memref<1x640x64xf32, #tpu.memory_space<hbm>>
      %dma_start3A_105 = tpu.memref_squeeze %dma_start3A_104 : memref<1x640x64xf32, #tpu.memory_space<hbm>> -> memref<640x64xf32, #tpu.memory_space<hbm>>
      %dma_start3A_106 = arith.constant 0 : i32
      %dma_start3A_107 = tpu.memref_slice %arg11[%mul3A_46, %dma_start3A_106] : memref<20480x64xf32, #tpu.memory_space<vmem_shared>> -> memref<640x64xf32, #tpu.memory_space<vmem_shared>>
      tpu.enqueue_dma source(%dma_start3A_107 : memref<640x64xf32, #tpu.memory_space<vmem_shared>>) target(%dma_start3A_105 : memref<640x64xf32, #tpu.memory_space<hbm>>) target_semaphore(%run_scoped3A : memref<!tpu.dma_semaphore, #tpu.memory_space<semaphore_mem>>)
      %dma_wait3A = arith.constant 0 : i32
      %dma_wait3A_108 = tpu.memref_slice %arg6[%add3A_1, %mul3A_48, %dma_wait3A] : memref<4x10240x64xf32, #tpu.memory_space<hbm>> -> memref<1x640x64xf32, #tpu.memory_space<hbm>>
      %dma_wait3A_109 = tpu.memref_squeeze %dma_wait3A_108 : memref<1x640x64xf32, #tpu.memory_space<hbm>> -> memref<640x64xf32, #tpu.memory_space<hbm>>
      %dma_wait3A_110 = arith.constant 0 : i32
      %dma_wait3A_111 = tpu.memref_slice %arg11[%mul3A_46, %dma_wait3A_110] : memref<20480x64xf32, #tpu.memory_space<vmem_shared>> -> memref<640x64xf32, #tpu.memory_space<vmem_shared>>
      tpu.wait_dma2 semaphore(%run_scoped3A : memref<!tpu.dma_semaphore, #tpu.memory_space<semaphore_mem>>) src(%dma_wait3A_111 : memref<640x64xf32, #tpu.memory_space<vmem_shared>>) dst(%dma_wait3A_109 : memref<640x64xf32, #tpu.memory_space<hbm>>)
      tpu.yield
    }) : () -> ()
    %mul3A_49 = arith.constant 2 : i32
    %mul3A_50 = arith.muli %mul3A_49, %arg0 : i32
    %add3A_51 = arith.constant 1 : i32
    %add3A_52 = arith.addi %mul3A_50, %add3A_51 : i32
    %mul3A_53 = arith.constant 640 : i32
    %mul3A_54 = arith.muli %arg1, %mul3A_53 : i32
    "tpu.region"() ({
      %run_scoped3A = tpu.sem_alloc : memref<!tpu.dma_semaphore, #tpu.memory_space<semaphore_mem>>
      %dma_start3A_103 = arith.constant 0 : i32
      %dma_start3A_104 = tpu.memref_slice %arg11[%mul3A_54, %dma_start3A_103] : memref<20480x64xf32, #tpu.memory_space<vmem_shared>> -> memref<640x64xf32, #tpu.memory_space<vmem_shared>>
      tpu.enqueue_dma source(%arg5 : memref<640x64xf32, #tpu.memory_space<hbm>>) target(%dma_start3A_104 : memref<640x64xf32, #tpu.memory_space<vmem_shared>>) target_semaphore(%run_scoped3A : memref<!tpu.dma_semaphore, #tpu.memory_space<semaphore_mem>>)
      %dma_wait3A = arith.constant 0 : i32
      %dma_wait3A_105 = tpu.memref_slice %arg11[%mul3A_54, %dma_wait3A] : memref<20480x64xf32, #tpu.memory_space<vmem_shared>> -> memref<640x64xf32, #tpu.memory_space<vmem_shared>>
      tpu.wait_dma2 semaphore(%run_scoped3A : memref<!tpu.dma_semaphore, #tpu.memory_space<semaphore_mem>>) src(%arg5 : memref<640x64xf32, #tpu.memory_space<hbm>>) dst(%dma_wait3A_105 : memref<640x64xf32, #tpu.memory_space<vmem_shared>>)
      tpu.yield
    }) : () -> ()
    %barrier3A_55 = arith.constant 0 : index
    tpu.barrier barrier_id(%barrier3A_55)
    %mul3A_56 = arith.constant 160 : i32
    %mul3A_57 = arith.muli %arg1, %mul3A_56 : i32
    %add3A_58 = arith.constant 0 : i32
    %add3A_59 = arith.addi %mul3A_57, %add3A_58 : i32
    "tpu.region"() ({
      %run_scoped3A = tpu.sem_alloc : memref<!tpu.dma_semaphore, #tpu.memory_space<semaphore_mem>>
      %dma_start3A_103 = arith.constant 0 : i32
      %dma_start3A_104 = tpu.memref_slice %arg3[%add3A_52, %add3A_59, %dma_start3A_103] : memref<4x2560x128xi32, #tpu.memory_space<hbm>> -> memref<1x80x128xi32, #tpu.memory_space<hbm>>
      %dma_start3A_105 = tpu.memref_squeeze %dma_start3A_104 : memref<1x80x128xi32, #tpu.memory_space<hbm>> -> memref<80x128xi32, #tpu.memory_space<hbm>>
      %dma_start3A_106 = arith.constant 0 : i32
      %dma_start3A_107 = tpu.memref_slice %arg3[%add3A_52, %add3A_59, %dma_start3A_106] : memref<4x2560x128xi32, #tpu.memory_space<hbm>> -> memref<1x80x128xi32, #tpu.memory_space<hbm>>
      %dma_start3A_108 = tpu.memref_squeeze %dma_start3A_107 : memref<1x80x128xi32, #tpu.memory_space<hbm>> -> memref<80x128xi32, #tpu.memory_space<hbm>>
      tpu.enqueue_dma source(%dma_start3A_108 : memref<80x128xi32, #tpu.memory_space<hbm>>) target(%arg7 : memref<80x128xi32, #tpu.memory_space<vmem>>) target_semaphore(%run_scoped3A : memref<!tpu.dma_semaphore, #tpu.memory_space<semaphore_mem>>)
      %dma_wait3A = arith.constant 0 : i32
      %dma_wait3A_109 = tpu.memref_slice %arg3[%add3A_52, %add3A_59, %dma_wait3A] : memref<4x2560x128xi32, #tpu.memory_space<hbm>> -> memref<1x80x128xi32, #tpu.memory_space<hbm>>
      %dma_wait3A_110 = tpu.memref_squeeze %dma_wait3A_109 : memref<1x80x128xi32, #tpu.memory_space<hbm>> -> memref<80x128xi32, #tpu.memory_space<hbm>>
      %dma_wait3A_111 = arith.constant 0 : i32
      %dma_wait3A_112 = tpu.memref_slice %arg3[%add3A_52, %add3A_59, %dma_wait3A_111] : memref<4x2560x128xi32, #tpu.memory_space<hbm>> -> memref<1x80x128xi32, #tpu.memory_space<hbm>>
      %dma_wait3A_113 = tpu.memref_squeeze %dma_wait3A_112 : memref<1x80x128xi32, #tpu.memory_space<hbm>> -> memref<80x128xi32, #tpu.memory_space<hbm>>
      tpu.wait_dma2 semaphore(%run_scoped3A : memref<!tpu.dma_semaphore, #tpu.memory_space<semaphore_mem>>) src(%dma_wait3A_113 : memref<80x128xi32, #tpu.memory_space<hbm>>) dst(%arg7 : memref<80x128xi32, #tpu.memory_space<vmem>>)
      tpu.yield
    }) : () -> ()
    %mul3A_60 = arith.constant 160 : i32
    %mul3A_61 = arith.muli %arg1, %mul3A_60 : i32
    %add3A_62 = arith.constant 0 : i32
    %add3A_63 = arith.addi %mul3A_61, %add3A_62 : i32
    "tpu.region"() ({
      %run_scoped3A = tpu.sem_alloc : memref<!tpu.dma_semaphore, #tpu.memory_space<semaphore_mem>>
      %dma_start3A_103 = arith.constant 0 : i32
      %dma_start3A_104 = tpu.memref_slice %arg4[%add3A_63, %dma_start3A_103] : memref<2560x128xi32, #tpu.memory_space<hbm>> -> memref<80x128xi32, #tpu.memory_space<hbm>>
      %dma_start3A_105 = arith.constant 0 : i32
      %dma_start3A_106 = tpu.memref_slice %arg4[%add3A_63, %dma_start3A_105] : memref<2560x128xi32, #tpu.memory_space<hbm>> -> memref<80x128xi32, #tpu.memory_space<hbm>>
      tpu.enqueue_dma source(%dma_start3A_106 : memref<80x128xi32, #tpu.memory_space<hbm>>) target(%arg8 : memref<80x128xi32, #tpu.memory_space<vmem>>) target_semaphore(%run_scoped3A : memref<!tpu.dma_semaphore, #tpu.memory_space<semaphore_mem>>)
      %dma_wait3A = arith.constant 0 : i32
      %dma_wait3A_107 = tpu.memref_slice %arg4[%add3A_63, %dma_wait3A] : memref<2560x128xi32, #tpu.memory_space<hbm>> -> memref<80x128xi32, #tpu.memory_space<hbm>>
      %dma_wait3A_108 = arith.constant 0 : i32
      %dma_wait3A_109 = tpu.memref_slice %arg4[%add3A_63, %dma_wait3A_108] : memref<2560x128xi32, #tpu.memory_space<hbm>> -> memref<80x128xi32, #tpu.memory_space<hbm>>
      tpu.wait_dma2 semaphore(%run_scoped3A : memref<!tpu.dma_semaphore, #tpu.memory_space<semaphore_mem>>) src(%dma_wait3A_109 : memref<80x128xi32, #tpu.memory_space<hbm>>) dst(%arg8 : memref<80x128xi32, #tpu.memory_space<vmem>>)
      tpu.yield
    }) : () -> ()
    %dma_start3A_64 = arith.constant 0 : i32
    %dma_start3A_65 = arith.constant 0 : i32
    %dma_start3A_66 = tpu.memref_slice %arg7[%dma_start3A_64, %dma_start3A_65] : memref<80x128xi32, #tpu.memory_space<vmem>> -> memref<1x128xi32, #tpu.memory_space<vmem>>
    %dma_start3A_67 = tpu.memref_squeeze %dma_start3A_66 : memref<1x128xi32, #tpu.memory_space<vmem>> -> memref<128xi32, #tpu.memory_space<vmem>>
    %dma_start3A_68 = arith.constant 0 : i32
    %dma_start3A_69 = arith.constant 0 : i32
    %dma_start3A_70 = tpu.memref_slice %arg2[%dma_start3A_68, %dma_start3A_69] : memref<40960x64xf32, #tpu.memory_space<hbm>> -> memref<40960x64xf32, #tpu.memory_space<hbm>>
    tpu.enqueue_indirect_dma source(%dma_start3A_70 : memref<40960x64xf32, #tpu.memory_space<hbm>>) target(%arg9 : memref<128x64xf32, #tpu.memory_space<vmem>>) offsets(%dma_start3A_67 : memref<128xi32, #tpu.memory_space<vmem>>) semaphore(%arg12 : memref<!tpu.dma_semaphore, #tpu.memory_space<semaphore_mem>>)
    %scan3A_71 = arith.constant 0 : i32
    %scan3A_72 = arith.constant 0 : i32
    %scan3A_73 = arith.constant 40 : i32
    %scan3A_74 = arith.addi %scan3A_72, %scan3A_73 : i32
    %scan3A_75 = arith.constant 1 : i32
    scf.for %scan3A_103 = %scan3A_72 to %scan3A_74 step %scan3A_75  : i32 {
      %mul3A_104 = arith.constant 2 : i32
      %mul3A_105 = arith.muli %mul3A_104, %scan3A_103 : i32
      %add3A_106 = arith.constant 1 : i32
      %add3A_107 = arith.addi %mul3A_105, %add3A_106 : i32
      %dma_start3A_108 = arith.constant 0 : i32
      %dma_start3A_109 = tpu.memref_slice %arg7[%add3A_107, %dma_start3A_108] : memref<80x128xi32, #tpu.memory_space<vmem>> -> memref<1x128xi32, #tpu.memory_space<vmem>>
      %dma_start3A_110 = tpu.memref_squeeze %dma_start3A_109 : memref<1x128xi32, #tpu.memory_space<vmem>> -> memref<128xi32, #tpu.memory_space<vmem>>
      %dma_start3A_111 = arith.constant 0 : i32
      %dma_start3A_112 = arith.constant 0 : i32
      %dma_start3A_113 = tpu.memref_slice %arg2[%dma_start3A_111, %dma_start3A_112] : memref<40960x64xf32, #tpu.memory_space<hbm>> -> memref<40960x64xf32, #tpu.memory_space<hbm>>
      tpu.enqueue_indirect_dma source(%dma_start3A_113 : memref<40960x64xf32, #tpu.memory_space<hbm>>) target(%arg10 : memref<128x64xf32, #tpu.memory_space<vmem>>) offsets(%dma_start3A_110 : memref<128xi32, #tpu.memory_space<vmem>>) semaphore(%arg13 : memref<!tpu.dma_semaphore, #tpu.memory_space<semaphore_mem>>)
      %dma_wait3A = arith.constant 0 : i32
      %dma_wait3A_114 = tpu.memref_slice %arg7[%mul3A_105, %dma_wait3A] : memref<80x128xi32, #tpu.memory_space<vmem>> -> memref<1x128xi32, #tpu.memory_space<vmem>>
      %dma_wait3A_115 = tpu.memref_squeeze %dma_wait3A_114 : memref<1x128xi32, #tpu.memory_space<vmem>> -> memref<128xi32, #tpu.memory_space<vmem>>
      %dma_wait3A_116 = arith.constant 0 : i32
      %dma_wait3A_117 = arith.constant 0 : i32
      %dma_wait3A_118 = tpu.memref_slice %arg2[%dma_wait3A_116, %dma_wait3A_117] : memref<40960x64xf32, #tpu.memory_space<hbm>> -> memref<40960x64xf32, #tpu.memory_space<hbm>>
      tpu.wait_indirect_dma semaphore(%arg12 : memref<!tpu.dma_semaphore, #tpu.memory_space<semaphore_mem>>) src(%dma_wait3A_118 : memref<40960x64xf32, #tpu.memory_space<hbm>>) dst(%arg9 : memref<128x64xf32, #tpu.memory_space<vmem>>)
      "tpu.region"() ({
        %run_scoped3A = tpu.sem_alloc : memref<!tpu.dma_semaphore, #tpu.memory_space<semaphore_mem>>
        %dma_start3A_133 = arith.constant 0 : i32
        %dma_start3A_134 = tpu.memref_slice %arg8[%mul3A_105, %dma_start3A_133] : memref<80x128xi32, #tpu.memory_space<vmem>> -> memref<1x128xi32, #tpu.memory_space<vmem>>
        %dma_start3A_135 = tpu.memref_squeeze %dma_start3A_134 : memref<1x128xi32, #tpu.memory_space<vmem>> -> memref<128xi32, #tpu.memory_space<vmem>>
        %dma_start3A_136 = arith.constant 0 : i32
        %dma_start3A_137 = arith.constant 0 : i32
        %dma_start3A_138 = tpu.memref_slice %arg11[%dma_start3A_136, %dma_start3A_137] : memref<20480x64xf32, #tpu.memory_space<vmem_shared>> -> memref<20480x64xf32, #tpu.memory_space<vmem_shared>>
        tpu.enqueue_indirect_dma source(%arg9 : memref<128x64xf32, #tpu.memory_space<vmem>>) target(%dma_start3A_138 : memref<20480x64xf32, #tpu.memory_space<vmem_shared>>) offsets(%dma_start3A_135 : memref<128xi32, #tpu.memory_space<vmem>>) semaphore(%run_scoped3A : memref<!tpu.dma_semaphore, #tpu.memory_space<semaphore_mem>>) {add = true}
        %dma_wait3A_139 = arith.constant 0 : i32
        %dma_wait3A_140 = tpu.memref_slice %arg8[%mul3A_105, %dma_wait3A_139] : memref<80x128xi32, #tpu.memory_space<vmem>> -> memref<1x128xi32, #tpu.memory_space<vmem>>
        %dma_wait3A_141 = tpu.memref_squeeze %dma_wait3A_140 : memref<1x128xi32, #tpu.memory_space<vmem>> -> memref<128xi32, #tpu.memory_space<vmem>>
        %dma_wait3A_142 = arith.constant 0 : i32
        %dma_wait3A_143 = arith.constant 0 : i32
        %dma_wait3A_144 = tpu.memref_slice %arg11[%dma_wait3A_142, %dma_wait3A_143] : memref<20480x64xf32, #tpu.memory_space<vmem_shared>> -> memref<20480x64xf32, #tpu.memory_space<vmem_shared>>
        tpu.wait_indirect_dma semaphore(%run_scoped3A : memref<!tpu.dma_semaphore, #tpu.memory_space<semaphore_mem>>) src(%arg9 : memref<128x64xf32, #tpu.memory_space<vmem>>) dst(%dma_wait3A_144 : memref<20480x64xf32, #tpu.memory_space<vmem_shared>>)
        tpu.yield
      }) : () -> ()
      %add3A_119 = arith.constant 2 : i32
      %add3A_120 = arith.addi %mul3A_105, %add3A_119 : i32
      %lt3A = arith.constant 80 : i32
      %lt3A_121 = arith.cmpi slt, %add3A_120, %lt3A : i32
      %convert_element_type3A = arith.extui %lt3A_121 : i1 to i32
      %cond3A = arith.constant 0 : i32
      %cond3A_122 = arith.cmpi ne, %convert_element_type3A, %cond3A : i32
      scf.if %cond3A_122 {
        %add3A_133 = arith.constant 2 : i32
        %add3A_134 = arith.addi %mul3A_105, %add3A_133 : i32
        %dma_start3A_135 = arith.constant 0 : i32
        %dma_start3A_136 = tpu.memref_slice %arg7[%add3A_134, %dma_start3A_135] : memref<80x128xi32, #tpu.memory_space<vmem>> -> memref<1x128xi32, #tpu.memory_space<vmem>>
        %dma_start3A_137 = tpu.memref_squeeze %dma_start3A_136 : memref<1x128xi32, #tpu.memory_space<vmem>> -> memref<128xi32, #tpu.memory_space<vmem>>
        %dma_start3A_138 = arith.constant 0 : i32
        %dma_start3A_139 = arith.constant 0 : i32
        %dma_start3A_140 = tpu.memref_slice %arg2[%dma_start3A_138, %dma_start3A_139] : memref<40960x64xf32, #tpu.memory_space<hbm>> -> memref<40960x64xf32, #tpu.memory_space<hbm>>
        tpu.enqueue_indirect_dma source(%dma_start3A_140 : memref<40960x64xf32, #tpu.memory_space<hbm>>) target(%arg9 : memref<128x64xf32, #tpu.memory_space<vmem>>) offsets(%dma_start3A_137 : memref<128xi32, #tpu.memory_space<vmem>>) semaphore(%arg12 : memref<!tpu.dma_semaphore, #tpu.memory_space<semaphore_mem>>)
      } else {
      }
      %add3A_123 = arith.constant 1 : i32
      %add3A_124 = arith.addi %mul3A_105, %add3A_123 : i32
      %dma_wait3A_125 = arith.constant 0 : i32
      %dma_wait3A_126 = tpu.memref_slice %arg7[%add3A_124, %dma_wait3A_125] : memref<80x128xi32, #tpu.memory_space<vmem>> -> memref<1x128xi32, #tpu.memory_space<vmem>>
      %dma_wait3A_127 = tpu.memref_squeeze %dma_wait3A_126 : memref<1x128xi32, #tpu.memory_space<vmem>> -> memref<128xi32, #tpu.memory_space<vmem>>
      %dma_wait3A_128 = arith.constant 0 : i32
      %dma_wait3A_129 = arith.constant 0 : i32
      %dma_wait3A_130 = tpu.memref_slice %arg2[%dma_wait3A_128, %dma_wait3A_129] : memref<40960x64xf32, #tpu.memory_space<hbm>> -> memref<40960x64xf32, #tpu.memory_space<hbm>>
      tpu.wait_indirect_dma semaphore(%arg13 : memref<!tpu.dma_semaphore, #tpu.memory_space<semaphore_mem>>) src(%dma_wait3A_130 : memref<40960x64xf32, #tpu.memory_space<hbm>>) dst(%arg10 : memref<128x64xf32, #tpu.memory_space<vmem>>)
      %add3A_131 = arith.constant 1 : i32
      %add3A_132 = arith.addi %mul3A_105, %add3A_131 : i32
      "tpu.region"() ({
        %run_scoped3A = tpu.sem_alloc : memref<!tpu.dma_semaphore, #tpu.memory_space<semaphore_mem>>
        %dma_start3A_133 = arith.constant 0 : i32
        %dma_start3A_134 = tpu.memref_slice %arg8[%add3A_132, %dma_start3A_133] : memref<80x128xi32, #tpu.memory_space<vmem>> -> memref<1x128xi32, #tpu.memory_space<vmem>>
        %dma_start3A_135 = tpu.memref_squeeze %dma_start3A_134 : memref<1x128xi32, #tpu.memory_space<vmem>> -> memref<128xi32, #tpu.memory_space<vmem>>
        %dma_start3A_136 = arith.constant 0 : i32
        %dma_start3A_137 = arith.constant 0 : i32
        %dma_start3A_138 = tpu.memref_slice %arg11[%dma_start3A_136, %dma_start3A_137] : memref<20480x64xf32, #tpu.memory_space<vmem_shared>> -> memref<20480x64xf32, #tpu.memory_space<vmem_shared>>
        tpu.enqueue_indirect_dma source(%arg10 : memref<128x64xf32, #tpu.memory_space<vmem>>) target(%dma_start3A_138 : memref<20480x64xf32, #tpu.memory_space<vmem_shared>>) offsets(%dma_start3A_135 : memref<128xi32, #tpu.memory_space<vmem>>) semaphore(%run_scoped3A : memref<!tpu.dma_semaphore, #tpu.memory_space<semaphore_mem>>) {add = true}
        %dma_wait3A_139 = arith.constant 0 : i32
        %dma_wait3A_140 = tpu.memref_slice %arg8[%add3A_132, %dma_wait3A_139] : memref<80x128xi32, #tpu.memory_space<vmem>> -> memref<1x128xi32, #tpu.memory_space<vmem>>
        %dma_wait3A_141 = tpu.memref_squeeze %dma_wait3A_140 : memref<1x128xi32, #tpu.memory_space<vmem>> -> memref<128xi32, #tpu.memory_space<vmem>>
        %dma_wait3A_142 = arith.constant 0 : i32
        %dma_wait3A_143 = arith.constant 0 : i32
        %dma_wait3A_144 = tpu.memref_slice %arg11[%dma_wait3A_142, %dma_wait3A_143] : memref<20480x64xf32, #tpu.memory_space<vmem_shared>> -> memref<20480x64xf32, #tpu.memory_space<vmem_shared>>
        tpu.wait_indirect_dma semaphore(%run_scoped3A : memref<!tpu.dma_semaphore, #tpu.memory_space<semaphore_mem>>) src(%arg10 : memref<128x64xf32, #tpu.memory_space<vmem>>) dst(%dma_wait3A_144 : memref<20480x64xf32, #tpu.memory_space<vmem_shared>>)
        tpu.yield
      }) : () -> ()
    }
    %scan3A_76 = arith.constant 40 : i32
    %mul3A_77 = arith.constant 160 : i32
    %mul3A_78 = arith.muli %arg1, %mul3A_77 : i32
    %add3A_79 = arith.constant 80 : i32
    %add3A_80 = arith.addi %mul3A_78, %add3A_79 : i32
    "tpu.region"() ({
      %run_scoped3A = tpu.sem_alloc : memref<!tpu.dma_semaphore, #tpu.memory_space<semaphore_mem>>
      %dma_start3A_103 = arith.constant 0 : i32
      %dma_start3A_104 = tpu.memref_slice %arg3[%add3A_52, %add3A_80, %dma_start3A_103] : memref<4x2560x128xi32, #tpu.memory_space<hbm>> -> memref<1x80x128xi32, #tpu.memory_space<hbm>>
      %dma_start3A_105 = tpu.memref_squeeze %dma_start3A_104 : memref<1x80x128xi32, #tpu.memory_space<hbm>> -> memref<80x128xi32, #tpu.memory_space<hbm>>
      %dma_start3A_106 = arith.constant 0 : i32
      %dma_start3A_107 = tpu.memref_slice %arg3[%add3A_52, %add3A_80, %dma_start3A_106] : memref<4x2560x128xi32, #tpu.memory_space<hbm>> -> memref<1x80x128xi32, #tpu.memory_space<hbm>>
      %dma_start3A_108 = tpu.memref_squeeze %dma_start3A_107 : memref<1x80x128xi32, #tpu.memory_space<hbm>> -> memref<80x128xi32, #tpu.memory_space<hbm>>
      tpu.enqueue_dma source(%dma_start3A_108 : memref<80x128xi32, #tpu.memory_space<hbm>>) target(%arg7 : memref<80x128xi32, #tpu.memory_space<vmem>>) target_semaphore(%run_scoped3A : memref<!tpu.dma_semaphore, #tpu.memory_space<semaphore_mem>>)
      %dma_wait3A = arith.constant 0 : i32
      %dma_wait3A_109 = tpu.memref_slice %arg3[%add3A_52, %add3A_80, %dma_wait3A] : memref<4x2560x128xi32, #tpu.memory_space<hbm>> -> memref<1x80x128xi32, #tpu.memory_space<hbm>>
      %dma_wait3A_110 = tpu.memref_squeeze %dma_wait3A_109 : memref<1x80x128xi32, #tpu.memory_space<hbm>> -> memref<80x128xi32, #tpu.memory_space<hbm>>
      %dma_wait3A_111 = arith.constant 0 : i32
      %dma_wait3A_112 = tpu.memref_slice %arg3[%add3A_52, %add3A_80, %dma_wait3A_111] : memref<4x2560x128xi32, #tpu.memory_space<hbm>> -> memref<1x80x128xi32, #tpu.memory_space<hbm>>
      %dma_wait3A_113 = tpu.memref_squeeze %dma_wait3A_112 : memref<1x80x128xi32, #tpu.memory_space<hbm>> -> memref<80x128xi32, #tpu.memory_space<hbm>>
      tpu.wait_dma2 semaphore(%run_scoped3A : memref<!tpu.dma_semaphore, #tpu.memory_space<semaphore_mem>>) src(%dma_wait3A_113 : memref<80x128xi32, #tpu.memory_space<hbm>>) dst(%arg7 : memref<80x128xi32, #tpu.memory_space<vmem>>)
      tpu.yield
    }) : () -> ()
    %mul3A_81 = arith.constant 160 : i32
    %mul3A_82 = arith.muli %arg1, %mul3A_81 : i32
    %add3A_83 = arith.constant 80 : i32
    %add3A_84 = arith.addi %mul3A_82, %add3A_83 : i32
    "tpu.region"() ({
      %run_scoped3A = tpu.sem_alloc : memref<!tpu.dma_semaphore, #tpu.memory_space<semaphore_mem>>
      %dma_start3A_103 = arith.constant 0 : i32
      %dma_start3A_104 = tpu.memref_slice %arg4[%add3A_84, %dma_start3A_103] : memref<2560x128xi32, #tpu.memory_space<hbm>> -> memref<80x128xi32, #tpu.memory_space<hbm>>
      %dma_start3A_105 = arith.constant 0 : i32
      %dma_start3A_106 = tpu.memref_slice %arg4[%add3A_84, %dma_start3A_105] : memref<2560x128xi32, #tpu.memory_space<hbm>> -> memref<80x128xi32, #tpu.memory_space<hbm>>
      tpu.enqueue_dma source(%dma_start3A_106 : memref<80x128xi32, #tpu.memory_space<hbm>>) target(%arg8 : memref<80x128xi32, #tpu.memory_space<vmem>>) target_semaphore(%run_scoped3A : memref<!tpu.dma_semaphore, #tpu.memory_space<semaphore_mem>>)
      %dma_wait3A = arith.constant 0 : i32
      %dma_wait3A_107 = tpu.memref_slice %arg4[%add3A_84, %dma_wait3A] : memref<2560x128xi32, #tpu.memory_space<hbm>> -> memref<80x128xi32, #tpu.memory_space<hbm>>
      %dma_wait3A_108 = arith.constant 0 : i32
      %dma_wait3A_109 = tpu.memref_slice %arg4[%add3A_84, %dma_wait3A_108] : memref<2560x128xi32, #tpu.memory_space<hbm>> -> memref<80x128xi32, #tpu.memory_space<hbm>>
      tpu.wait_dma2 semaphore(%run_scoped3A : memref<!tpu.dma_semaphore, #tpu.memory_space<semaphore_mem>>) src(%dma_wait3A_109 : memref<80x128xi32, #tpu.memory_space<hbm>>) dst(%arg8 : memref<80x128xi32, #tpu.memory_space<vmem>>)
      tpu.yield
    }) : () -> ()
    %dma_start3A_85 = arith.constant 0 : i32
    %dma_start3A_86 = arith.constant 0 : i32
    %dma_start3A_87 = tpu.memref_slice %arg7[%dma_start3A_85, %dma_start3A_86] : memref<80x128xi32, #tpu.memory_space<vmem>> -> memref<1x128xi32, #tpu.memory_space<vmem>>
    %dma_start3A_88 = tpu.memref_squeeze %dma_start3A_87 : memref<1x128xi32, #tpu.memory_space<vmem>> -> memref<128xi32, #tpu.memory_space<vmem>>
    %dma_start3A_89 = arith.constant 0 : i32
    %dma_start3A_90 = arith.constant 0 : i32
    %dma_start3A_91 = tpu.memref_slice %arg2[%dma_start3A_89, %dma_start3A_90] : memref<40960x64xf32, #tpu.memory_space<hbm>> -> memref<40960x64xf32, #tpu.memory_space<hbm>>
    tpu.enqueue_indirect_dma source(%dma_start3A_91 : memref<40960x64xf32, #tpu.memory_space<hbm>>) target(%arg9 : memref<128x64xf32, #tpu.memory_space<vmem>>) offsets(%dma_start3A_88 : memref<128xi32, #tpu.memory_space<vmem>>) semaphore(%arg12 : memref<!tpu.dma_semaphore, #tpu.memory_space<semaphore_mem>>)
    %scan3A_92 = arith.constant 0 : i32
    %scan3A_93 = arith.constant 0 : i32
    %scan3A_94 = arith.constant 40 : i32
    %scan3A_95 = arith.addi %scan3A_93, %scan3A_94 : i32
    %scan3A_96 = arith.constant 1 : i32
    scf.for %scan3A_103 = %scan3A_93 to %scan3A_95 step %scan3A_96  : i32 {
      %mul3A_104 = arith.constant 2 : i32
      %mul3A_105 = arith.muli %mul3A_104, %scan3A_103 : i32
      %add3A_106 = arith.constant 1 : i32
      %add3A_107 = arith.addi %mul3A_105, %add3A_106 : i32
      %dma_start3A_108 = arith.constant 0 : i32
      %dma_start3A_109 = tpu.memref_slice %arg7[%add3A_107, %dma_start3A_108] : memref<80x128xi32, #tpu.memory_space<vmem>> -> memref<1x128xi32, #tpu.memory_space<vmem>>
      %dma_start3A_110 = tpu.memref_squeeze %dma_start3A_109 : memref<1x128xi32, #tpu.memory_space<vmem>> -> memref<128xi32, #tpu.memory_space<vmem>>
      %dma_start3A_111 = arith.constant 0 : i32
      %dma_start3A_112 = arith.constant 0 : i32
      %dma_start3A_113 = tpu.memref_slice %arg2[%dma_start3A_111, %dma_start3A_112] : memref<40960x64xf32, #tpu.memory_space<hbm>> -> memref<40960x64xf32, #tpu.memory_space<hbm>>
      tpu.enqueue_indirect_dma source(%dma_start3A_113 : memref<40960x64xf32, #tpu.memory_space<hbm>>) target(%arg10 : memref<128x64xf32, #tpu.memory_space<vmem>>) offsets(%dma_start3A_110 : memref<128xi32, #tpu.memory_space<vmem>>) semaphore(%arg13 : memref<!tpu.dma_semaphore, #tpu.memory_space<semaphore_mem>>)
      %dma_wait3A = arith.constant 0 : i32
      %dma_wait3A_114 = tpu.memref_slice %arg7[%mul3A_105, %dma_wait3A] : memref<80x128xi32, #tpu.memory_space<vmem>> -> memref<1x128xi32, #tpu.memory_space<vmem>>
      %dma_wait3A_115 = tpu.memref_squeeze %dma_wait3A_114 : memref<1x128xi32, #tpu.memory_space<vmem>> -> memref<128xi32, #tpu.memory_space<vmem>>
      %dma_wait3A_116 = arith.constant 0 : i32
      %dma_wait3A_117 = arith.constant 0 : i32
      %dma_wait3A_118 = tpu.memref_slice %arg2[%dma_wait3A_116, %dma_wait3A_117] : memref<40960x64xf32, #tpu.memory_space<hbm>> -> memref<40960x64xf32, #tpu.memory_space<hbm>>
      tpu.wait_indirect_dma semaphore(%arg12 : memref<!tpu.dma_semaphore, #tpu.memory_space<semaphore_mem>>) src(%dma_wait3A_118 : memref<40960x64xf32, #tpu.memory_space<hbm>>) dst(%arg9 : memref<128x64xf32, #tpu.memory_space<vmem>>)
      "tpu.region"() ({
        %run_scoped3A = tpu.sem_alloc : memref<!tpu.dma_semaphore, #tpu.memory_space<semaphore_mem>>
        %dma_start3A_133 = arith.constant 0 : i32
        %dma_start3A_134 = tpu.memref_slice %arg8[%mul3A_105, %dma_start3A_133] : memref<80x128xi32, #tpu.memory_space<vmem>> -> memref<1x128xi32, #tpu.memory_space<vmem>>
        %dma_start3A_135 = tpu.memref_squeeze %dma_start3A_134 : memref<1x128xi32, #tpu.memory_space<vmem>> -> memref<128xi32, #tpu.memory_space<vmem>>
        %dma_start3A_136 = arith.constant 0 : i32
        %dma_start3A_137 = arith.constant 0 : i32
        %dma_start3A_138 = tpu.memref_slice %arg11[%dma_start3A_136, %dma_start3A_137] : memref<20480x64xf32, #tpu.memory_space<vmem_shared>> -> memref<20480x64xf32, #tpu.memory_space<vmem_shared>>
        tpu.enqueue_indirect_dma source(%arg9 : memref<128x64xf32, #tpu.memory_space<vmem>>) target(%dma_start3A_138 : memref<20480x64xf32, #tpu.memory_space<vmem_shared>>) offsets(%dma_start3A_135 : memref<128xi32, #tpu.memory_space<vmem>>) semaphore(%run_scoped3A : memref<!tpu.dma_semaphore, #tpu.memory_space<semaphore_mem>>) {add = true}
        %dma_wait3A_139 = arith.constant 0 : i32
        %dma_wait3A_140 = tpu.memref_slice %arg8[%mul3A_105, %dma_wait3A_139] : memref<80x128xi32, #tpu.memory_space<vmem>> -> memref<1x128xi32, #tpu.memory_space<vmem>>
        %dma_wait3A_141 = tpu.memref_squeeze %dma_wait3A_140 : memref<1x128xi32, #tpu.memory_space<vmem>> -> memref<128xi32, #tpu.memory_space<vmem>>
        %dma_wait3A_142 = arith.constant 0 : i32
        %dma_wait3A_143 = arith.constant 0 : i32
        %dma_wait3A_144 = tpu.memref_slice %arg11[%dma_wait3A_142, %dma_wait3A_143] : memref<20480x64xf32, #tpu.memory_space<vmem_shared>> -> memref<20480x64xf32, #tpu.memory_space<vmem_shared>>
        tpu.wait_indirect_dma semaphore(%run_scoped3A : memref<!tpu.dma_semaphore, #tpu.memory_space<semaphore_mem>>) src(%arg9 : memref<128x64xf32, #tpu.memory_space<vmem>>) dst(%dma_wait3A_144 : memref<20480x64xf32, #tpu.memory_space<vmem_shared>>)
        tpu.yield
      }) : () -> ()
      %add3A_119 = arith.constant 2 : i32
      %add3A_120 = arith.addi %mul3A_105, %add3A_119 : i32
      %lt3A = arith.constant 80 : i32
      %lt3A_121 = arith.cmpi slt, %add3A_120, %lt3A : i32
      %convert_element_type3A = arith.extui %lt3A_121 : i1 to i32
      %cond3A = arith.constant 0 : i32
      %cond3A_122 = arith.cmpi ne, %convert_element_type3A, %cond3A : i32
      scf.if %cond3A_122 {
        %add3A_133 = arith.constant 2 : i32
        %add3A_134 = arith.addi %mul3A_105, %add3A_133 : i32
        %dma_start3A_135 = arith.constant 0 : i32
        %dma_start3A_136 = tpu.memref_slice %arg7[%add3A_134, %dma_start3A_135] : memref<80x128xi32, #tpu.memory_space<vmem>> -> memref<1x128xi32, #tpu.memory_space<vmem>>
        %dma_start3A_137 = tpu.memref_squeeze %dma_start3A_136 : memref<1x128xi32, #tpu.memory_space<vmem>> -> memref<128xi32, #tpu.memory_space<vmem>>
        %dma_start3A_138 = arith.constant 0 : i32
        %dma_start3A_139 = arith.constant 0 : i32
        %dma_start3A_140 = tpu.memref_slice %arg2[%dma_start3A_138, %dma_start3A_139] : memref<40960x64xf32, #tpu.memory_space<hbm>> -> memref<40960x64xf32, #tpu.memory_space<hbm>>
        tpu.enqueue_indirect_dma source(%dma_start3A_140 : memref<40960x64xf32, #tpu.memory_space<hbm>>) target(%arg9 : memref<128x64xf32, #tpu.memory_space<vmem>>) offsets(%dma_start3A_137 : memref<128xi32, #tpu.memory_space<vmem>>) semaphore(%arg12 : memref<!tpu.dma_semaphore, #tpu.memory_space<semaphore_mem>>)
      } else {
      }
      %add3A_123 = arith.constant 1 : i32
      %add3A_124 = arith.addi %mul3A_105, %add3A_123 : i32
      %dma_wait3A_125 = arith.constant 0 : i32
      %dma_wait3A_126 = tpu.memref_slice %arg7[%add3A_124, %dma_wait3A_125] : memref<80x128xi32, #tpu.memory_space<vmem>> -> memref<1x128xi32, #tpu.memory_space<vmem>>
      %dma_wait3A_127 = tpu.memref_squeeze %dma_wait3A_126 : memref<1x128xi32, #tpu.memory_space<vmem>> -> memref<128xi32, #tpu.memory_space<vmem>>
      %dma_wait3A_128 = arith.constant 0 : i32
      %dma_wait3A_129 = arith.constant 0 : i32
      %dma_wait3A_130 = tpu.memref_slice %arg2[%dma_wait3A_128, %dma_wait3A_129] : memref<40960x64xf32, #tpu.memory_space<hbm>> -> memref<40960x64xf32, #tpu.memory_space<hbm>>
      tpu.wait_indirect_dma semaphore(%arg13 : memref<!tpu.dma_semaphore, #tpu.memory_space<semaphore_mem>>) src(%dma_wait3A_130 : memref<40960x64xf32, #tpu.memory_space<hbm>>) dst(%arg10 : memref<128x64xf32, #tpu.memory_space<vmem>>)
      %add3A_131 = arith.constant 1 : i32
      %add3A_132 = arith.addi %mul3A_105, %add3A_131 : i32
      "tpu.region"() ({
        %run_scoped3A = tpu.sem_alloc : memref<!tpu.dma_semaphore, #tpu.memory_space<semaphore_mem>>
        %dma_start3A_133 = arith.constant 0 : i32
        %dma_start3A_134 = tpu.memref_slice %arg8[%add3A_132, %dma_start3A_133] : memref<80x128xi32, #tpu.memory_space<vmem>> -> memref<1x128xi32, #tpu.memory_space<vmem>>
        %dma_start3A_135 = tpu.memref_squeeze %dma_start3A_134 : memref<1x128xi32, #tpu.memory_space<vmem>> -> memref<128xi32, #tpu.memory_space<vmem>>
        %dma_start3A_136 = arith.constant 0 : i32
        %dma_start3A_137 = arith.constant 0 : i32
        %dma_start3A_138 = tpu.memref_slice %arg11[%dma_start3A_136, %dma_start3A_137] : memref<20480x64xf32, #tpu.memory_space<vmem_shared>> -> memref<20480x64xf32, #tpu.memory_space<vmem_shared>>
        tpu.enqueue_indirect_dma source(%arg10 : memref<128x64xf32, #tpu.memory_space<vmem>>) target(%dma_start3A_138 : memref<20480x64xf32, #tpu.memory_space<vmem_shared>>) offsets(%dma_start3A_135 : memref<128xi32, #tpu.memory_space<vmem>>) semaphore(%run_scoped3A : memref<!tpu.dma_semaphore, #tpu.memory_space<semaphore_mem>>) {add = true}
        %dma_wait3A_139 = arith.constant 0 : i32
        %dma_wait3A_140 = tpu.memref_slice %arg8[%add3A_132, %dma_wait3A_139] : memref<80x128xi32, #tpu.memory_space<vmem>> -> memref<1x128xi32, #tpu.memory_space<vmem>>
        %dma_wait3A_141 = tpu.memref_squeeze %dma_wait3A_140 : memref<1x128xi32, #tpu.memory_space<vmem>> -> memref<128xi32, #tpu.memory_space<vmem>>
        %dma_wait3A_142 = arith.constant 0 : i32
        %dma_wait3A_143 = arith.constant 0 : i32
        %dma_wait3A_144 = tpu.memref_slice %arg11[%dma_wait3A_142, %dma_wait3A_143] : memref<20480x64xf32, #tpu.memory_space<vmem_shared>> -> memref<20480x64xf32, #tpu.memory_space<vmem_shared>>
        tpu.wait_indirect_dma semaphore(%run_scoped3A : memref<!tpu.dma_semaphore, #tpu.memory_space<semaphore_mem>>) src(%arg10 : memref<128x64xf32, #tpu.memory_space<vmem>>) dst(%dma_wait3A_144 : memref<20480x64xf32, #tpu.memory_space<vmem_shared>>)
        tpu.yield
      }) : () -> ()
    }
    %scan3A_97 = arith.constant 40 : i32
    %barrier3A_98 = arith.constant 0 : index
    tpu.barrier barrier_id(%barrier3A_98)
    %mul3A_99 = arith.constant 640 : i32
    %mul3A_100 = arith.muli %arg1, %mul3A_99 : i32
    %mul3A_101 = arith.constant 640 : i32
    %mul3A_102 = arith.muli %arg1, %mul3A_101 : i32
    "tpu.region"() ({
      %run_scoped3A = tpu.sem_alloc : memref<!tpu.dma_semaphore, #tpu.memory_space<semaphore_mem>>
      %dma_start3A_103 = arith.constant 0 : i32
      %dma_start3A_104 = tpu.memref_slice %arg6[%add3A_52, %mul3A_102, %dma_start3A_103] : memref<4x10240x64xf32, #tpu.memory_space<hbm>> -> memref<1x640x64xf32, #tpu.memory_space<hbm>>
      %dma_start3A_105 = tpu.memref_squeeze %dma_start3A_104 : memref<1x640x64xf32, #tpu.memory_space<hbm>> -> memref<640x64xf32, #tpu.memory_space<hbm>>
      %dma_start3A_106 = arith.constant 0 : i32
      %dma_start3A_107 = tpu.memref_slice %arg11[%mul3A_100, %dma_start3A_106] : memref<20480x64xf32, #tpu.memory_space<vmem_shared>> -> memref<640x64xf32, #tpu.memory_space<vmem_shared>>
      tpu.enqueue_dma source(%dma_start3A_107 : memref<640x64xf32, #tpu.memory_space<vmem_shared>>) target(%dma_start3A_105 : memref<640x64xf32, #tpu.memory_space<hbm>>) target_semaphore(%run_scoped3A : memref<!tpu.dma_semaphore, #tpu.memory_space<semaphore_mem>>)
      %dma_wait3A = arith.constant 0 : i32
      %dma_wait3A_108 = tpu.memref_slice %arg6[%add3A_52, %mul3A_102, %dma_wait3A] : memref<4x10240x64xf32, #tpu.memory_space<hbm>> -> memref<1x640x64xf32, #tpu.memory_space<hbm>>
      %dma_wait3A_109 = tpu.memref_squeeze %dma_wait3A_108 : memref<1x640x64xf32, #tpu.memory_space<hbm>> -> memref<640x64xf32, #tpu.memory_space<hbm>>
      %dma_wait3A_110 = arith.constant 0 : i32
      %dma_wait3A_111 = tpu.memref_slice %arg11[%mul3A_100, %dma_wait3A_110] : memref<20480x64xf32, #tpu.memory_space<vmem_shared>> -> memref<640x64xf32, #tpu.memory_space<vmem_shared>>
      tpu.wait_dma2 semaphore(%run_scoped3A : memref<!tpu.dma_semaphore, #tpu.memory_space<semaphore_mem>>) src(%dma_wait3A_111 : memref<640x64xf32, #tpu.memory_space<vmem_shared>>) dst(%dma_wait3A_109 : memref<640x64xf32, #tpu.memory_space<hbm>>)
      tpu.yield
    }) : () -> ()
    return
  }
}

#map = affine_map<(d0, d1) -> (0, 0)>
#map1 = affine_map<(d0, d1) -> (0)>
module attributes {stable_mosaic.version = 14 : i64} {
  func.func @_sc_degree(%arg0: i32, %arg1: i32, %arg2: memref<2560x128xi32, #tpu.memory_space<hbm>>, %arg3: memref<128xf32, #tpu.memory_space<hbm>>, %arg4: memref<10240xf32, #tpu.memory_space<hbm>>, %arg5: memref<20480xf32, #tpu.memory_space<hbm>>, %arg6: memref<80x128xi32, #tpu.memory_space<vmem>>, %arg7: memref<128xf32, #tpu.memory_space<vmem>>, %arg8: memref<640xf32, #tpu.memory_space<vmem>>, %arg9: memref<20480xf32, #tpu.memory_space<vmem_shared>>) attributes {dimension_semantics = [#tpu.dimension_semantics<core_parallel>, #tpu.dimension_semantics<subcore_parallel>], iteration_bounds = array<i64: 2, 16>, scalar_prefetch = 0 : i64, scratch_operands = 4 : i64, tpu.core_type = #tpu.core_type<sc_vector_subcore>, window_params = [{transform_indices = #map}, {transform_indices = #map1}, {transform_indices = #map1}, {transform_indices = #map1}]} {
    %mul3A = arith.constant 16 : i32
    %mul3A_0 = arith.muli %arg0, %mul3A : i32
    %add3A = arith.addi %mul3A_0, %arg1 : i32
    %mul3A_1 = arith.constant 80 : i32
    %mul3A_2 = arith.muli %add3A, %mul3A_1 : i32
    "tpu.region"() ({
      %run_scoped3A = tpu.sem_alloc : memref<!tpu.dma_semaphore, #tpu.memory_space<semaphore_mem>>
      %dma_start3A = arith.constant 0 : i32
      %dma_start3A_18 = tpu.memref_slice %arg2[%mul3A_2, %dma_start3A] : memref<2560x128xi32, #tpu.memory_space<hbm>> -> memref<80x128xi32, #tpu.memory_space<hbm>>
      %dma_start3A_19 = arith.constant 0 : i32
      %dma_start3A_20 = tpu.memref_slice %arg2[%mul3A_2, %dma_start3A_19] : memref<2560x128xi32, #tpu.memory_space<hbm>> -> memref<80x128xi32, #tpu.memory_space<hbm>>
      tpu.enqueue_dma source(%dma_start3A_20 : memref<80x128xi32, #tpu.memory_space<hbm>>) target(%arg6 : memref<80x128xi32, #tpu.memory_space<vmem>>) target_semaphore(%run_scoped3A : memref<!tpu.dma_semaphore, #tpu.memory_space<semaphore_mem>>)
      %dma_wait3A = arith.constant 0 : i32
      %dma_wait3A_21 = tpu.memref_slice %arg2[%mul3A_2, %dma_wait3A] : memref<2560x128xi32, #tpu.memory_space<hbm>> -> memref<80x128xi32, #tpu.memory_space<hbm>>
      %dma_wait3A_22 = arith.constant 0 : i32
      %dma_wait3A_23 = tpu.memref_slice %arg2[%mul3A_2, %dma_wait3A_22] : memref<2560x128xi32, #tpu.memory_space<hbm>> -> memref<80x128xi32, #tpu.memory_space<hbm>>
      tpu.wait_dma2 semaphore(%run_scoped3A : memref<!tpu.dma_semaphore, #tpu.memory_space<semaphore_mem>>) src(%dma_wait3A_23 : memref<80x128xi32, #tpu.memory_space<hbm>>) dst(%arg6 : memref<80x128xi32, #tpu.memory_space<vmem>>)
      tpu.yield
    }) : () -> ()
    "tpu.region"() ({
      %run_scoped3A = tpu.sem_alloc : memref<!tpu.dma_semaphore, #tpu.memory_space<semaphore_mem>>
      tpu.enqueue_dma source(%arg3 : memref<128xf32, #tpu.memory_space<hbm>>) target(%arg7 : memref<128xf32, #tpu.memory_space<vmem>>) target_semaphore(%run_scoped3A : memref<!tpu.dma_semaphore, #tpu.memory_space<semaphore_mem>>)
      tpu.wait_dma2 semaphore(%run_scoped3A : memref<!tpu.dma_semaphore, #tpu.memory_space<semaphore_mem>>) src(%arg3 : memref<128xf32, #tpu.memory_space<hbm>>) dst(%arg7 : memref<128xf32, #tpu.memory_space<vmem>>)
      tpu.yield
    }) : () -> ()
    "tpu.region"() ({
      %run_scoped3A = tpu.sem_alloc : memref<!tpu.dma_semaphore, #tpu.memory_space<semaphore_mem>>
      %dma_start3A = arith.constant 0 : i32
      %dma_start3A_18 = tpu.memref_slice %arg4[%dma_start3A] : memref<10240xf32, #tpu.memory_space<hbm>> -> memref<640xf32, #tpu.memory_space<hbm>>
      %dma_start3A_19 = arith.constant 0 : i32
      %dma_start3A_20 = tpu.memref_slice %arg4[%dma_start3A_19] : memref<10240xf32, #tpu.memory_space<hbm>> -> memref<640xf32, #tpu.memory_space<hbm>>
      tpu.enqueue_dma source(%dma_start3A_20 : memref<640xf32, #tpu.memory_space<hbm>>) target(%arg8 : memref<640xf32, #tpu.memory_space<vmem>>) target_semaphore(%run_scoped3A : memref<!tpu.dma_semaphore, #tpu.memory_space<semaphore_mem>>)
      %dma_wait3A = arith.constant 0 : i32
      %dma_wait3A_21 = tpu.memref_slice %arg4[%dma_wait3A] : memref<10240xf32, #tpu.memory_space<hbm>> -> memref<640xf32, #tpu.memory_space<hbm>>
      %dma_wait3A_22 = arith.constant 0 : i32
      %dma_wait3A_23 = tpu.memref_slice %arg4[%dma_wait3A_22] : memref<10240xf32, #tpu.memory_space<hbm>> -> memref<640xf32, #tpu.memory_space<hbm>>
      tpu.wait_dma2 semaphore(%run_scoped3A : memref<!tpu.dma_semaphore, #tpu.memory_space<semaphore_mem>>) src(%dma_wait3A_23 : memref<640xf32, #tpu.memory_space<hbm>>) dst(%arg8 : memref<640xf32, #tpu.memory_space<vmem>>)
      tpu.yield
    }) : () -> ()
    %mul3A_3 = arith.constant 640 : i32
    %mul3A_4 = arith.muli %arg1, %mul3A_3 : i32
    "tpu.region"() ({
      %run_scoped3A = tpu.sem_alloc : memref<!tpu.dma_semaphore, #tpu.memory_space<semaphore_mem>>
      %dma_start3A = tpu.memref_slice %arg9[%mul3A_4] : memref<20480xf32, #tpu.memory_space<vmem_shared>> -> memref<640xf32, #tpu.memory_space<vmem_shared>>
      %dma_start3A_18 = tpu.memref_slice %arg9[%mul3A_4] : memref<20480xf32, #tpu.memory_space<vmem_shared>> -> memref<640xf32, #tpu.memory_space<vmem_shared>>
      tpu.enqueue_dma source(%arg8 : memref<640xf32, #tpu.memory_space<vmem>>) target(%dma_start3A_18 : memref<640xf32, #tpu.memory_space<vmem_shared>>) target_semaphore(%run_scoped3A : memref<!tpu.dma_semaphore, #tpu.memory_space<semaphore_mem>>)
      %dma_wait3A = tpu.memref_slice %arg9[%mul3A_4] : memref<20480xf32, #tpu.memory_space<vmem_shared>> -> memref<640xf32, #tpu.memory_space<vmem_shared>>
      %dma_wait3A_19 = tpu.memref_slice %arg9[%mul3A_4] : memref<20480xf32, #tpu.memory_space<vmem_shared>> -> memref<640xf32, #tpu.memory_space<vmem_shared>>
      tpu.wait_dma2 semaphore(%run_scoped3A : memref<!tpu.dma_semaphore, #tpu.memory_space<semaphore_mem>>) src(%arg8 : memref<640xf32, #tpu.memory_space<vmem>>) dst(%dma_wait3A_19 : memref<640xf32, #tpu.memory_space<vmem_shared>>)
      tpu.yield
    }) : () -> ()
    %barrier3A = arith.constant 0 : index
    tpu.barrier barrier_id(%barrier3A)
    %scan3A = arith.constant 0 : i32
    %scan3A_5 = arith.constant 0 : i32
    %scan3A_6 = arith.constant 80 : i32
    %scan3A_7 = arith.addi %scan3A_5, %scan3A_6 : i32
    %scan3A_8 = arith.constant 1 : i32
    scf.for %scan3A_18 = %scan3A_5 to %scan3A_7 step %scan3A_8  : i32 {
      "tpu.region"() ({
        %run_scoped3A = tpu.sem_alloc : memref<!tpu.dma_semaphore, #tpu.memory_space<semaphore_mem>>
        %dma_start3A = arith.constant 0 : i32
        %dma_start3A_19 = tpu.memref_slice %arg6[%scan3A_18, %dma_start3A] : memref<80x128xi32, #tpu.memory_space<vmem>> -> memref<1x128xi32, #tpu.memory_space<vmem>>
        %dma_start3A_20 = tpu.memref_squeeze %dma_start3A_19 : memref<1x128xi32, #tpu.memory_space<vmem>> -> memref<128xi32, #tpu.memory_space<vmem>>
        %dma_start3A_21 = arith.constant 0 : i32
        %dma_start3A_22 = tpu.memref_slice %arg9[%dma_start3A_21] : memref<20480xf32, #tpu.memory_space<vmem_shared>> -> memref<20480xf32, #tpu.memory_space<vmem_shared>>
        tpu.enqueue_indirect_dma source(%arg7 : memref<128xf32, #tpu.memory_space<vmem>>) target(%dma_start3A_22 : memref<20480xf32, #tpu.memory_space<vmem_shared>>) offsets(%dma_start3A_20 : memref<128xi32, #tpu.memory_space<vmem>>) semaphore(%run_scoped3A : memref<!tpu.dma_semaphore, #tpu.memory_space<semaphore_mem>>) {add = true}
        %dma_wait3A = arith.constant 0 : i32
        %dma_wait3A_23 = tpu.memref_slice %arg6[%scan3A_18, %dma_wait3A] : memref<80x128xi32, #tpu.memory_space<vmem>> -> memref<1x128xi32, #tpu.memory_space<vmem>>
        %dma_wait3A_24 = tpu.memref_squeeze %dma_wait3A_23 : memref<1x128xi32, #tpu.memory_space<vmem>> -> memref<128xi32, #tpu.memory_space<vmem>>
        %dma_wait3A_25 = arith.constant 0 : i32
        %dma_wait3A_26 = tpu.memref_slice %arg9[%dma_wait3A_25] : memref<20480xf32, #tpu.memory_space<vmem_shared>> -> memref<20480xf32, #tpu.memory_space<vmem_shared>>
        tpu.wait_indirect_dma semaphore(%run_scoped3A : memref<!tpu.dma_semaphore, #tpu.memory_space<semaphore_mem>>) src(%arg7 : memref<128xf32, #tpu.memory_space<vmem>>) dst(%dma_wait3A_26 : memref<20480xf32, #tpu.memory_space<vmem_shared>>)
        tpu.yield
      }) : () -> ()
    }
    %scan3A_9 = arith.constant 80 : i32
    %barrier3A_10 = arith.constant 0 : index
    tpu.barrier barrier_id(%barrier3A_10)
    %mul3A_11 = arith.constant 640 : i32
    %mul3A_12 = arith.muli %arg1, %mul3A_11 : i32
    "tpu.region"() ({
      %run_scoped3A = tpu.sem_alloc : memref<!tpu.dma_semaphore, #tpu.memory_space<semaphore_mem>>
      %dma_start3A = tpu.memref_slice %arg9[%mul3A_12] : memref<20480xf32, #tpu.memory_space<vmem_shared>> -> memref<640xf32, #tpu.memory_space<vmem_shared>>
      %dma_start3A_18 = tpu.memref_slice %arg9[%mul3A_12] : memref<20480xf32, #tpu.memory_space<vmem_shared>> -> memref<640xf32, #tpu.memory_space<vmem_shared>>
      tpu.enqueue_dma source(%dma_start3A_18 : memref<640xf32, #tpu.memory_space<vmem_shared>>) target(%arg8 : memref<640xf32, #tpu.memory_space<vmem>>) target_semaphore(%run_scoped3A : memref<!tpu.dma_semaphore, #tpu.memory_space<semaphore_mem>>)
      %dma_wait3A = tpu.memref_slice %arg9[%mul3A_12] : memref<20480xf32, #tpu.memory_space<vmem_shared>> -> memref<640xf32, #tpu.memory_space<vmem_shared>>
      %dma_wait3A_19 = tpu.memref_slice %arg9[%mul3A_12] : memref<20480xf32, #tpu.memory_space<vmem_shared>> -> memref<640xf32, #tpu.memory_space<vmem_shared>>
      tpu.wait_dma2 semaphore(%run_scoped3A : memref<!tpu.dma_semaphore, #tpu.memory_space<semaphore_mem>>) src(%dma_wait3A_19 : memref<640xf32, #tpu.memory_space<vmem_shared>>) dst(%arg8 : memref<640xf32, #tpu.memory_space<vmem>>)
      tpu.yield
    }) : () -> ()
    %mul3A_13 = arith.constant 10240 : i32
    %mul3A_14 = arith.muli %arg0, %mul3A_13 : i32
    %mul3A_15 = arith.constant 640 : i32
    %mul3A_16 = arith.muli %arg1, %mul3A_15 : i32
    %add3A_17 = arith.addi %mul3A_14, %mul3A_16 : i32
    "tpu.region"() ({
      %run_scoped3A = tpu.sem_alloc : memref<!tpu.dma_semaphore, #tpu.memory_space<semaphore_mem>>
      %dma_start3A = tpu.memref_slice %arg5[%add3A_17] : memref<20480xf32, #tpu.memory_space<hbm>> -> memref<640xf32, #tpu.memory_space<hbm>>
      %dma_start3A_18 = tpu.memref_slice %arg5[%add3A_17] : memref<20480xf32, #tpu.memory_space<hbm>> -> memref<640xf32, #tpu.memory_space<hbm>>
      tpu.enqueue_dma source(%arg8 : memref<640xf32, #tpu.memory_space<vmem>>) target(%dma_start3A_18 : memref<640xf32, #tpu.memory_space<hbm>>) target_semaphore(%run_scoped3A : memref<!tpu.dma_semaphore, #tpu.memory_space<semaphore_mem>>)
      %dma_wait3A = tpu.memref_slice %arg5[%add3A_17] : memref<20480xf32, #tpu.memory_space<hbm>> -> memref<640xf32, #tpu.memory_space<hbm>>
      %dma_wait3A_19 = tpu.memref_slice %arg5[%add3A_17] : memref<20480xf32, #tpu.memory_space<hbm>> -> memref<640xf32, #tpu.memory_space<hbm>>
      tpu.wait_dma2 semaphore(%run_scoped3A : memref<!tpu.dma_semaphore, #tpu.memory_space<semaphore_mem>>) src(%arg8 : memref<640xf32, #tpu.memory_space<vmem>>) dst(%dma_wait3A_19 : memref<640xf32, #tpu.memory_space<hbm>>)
      tpu.yield
    }) : () -> ()
    return
  }
}

module attributes {stable_mosaic.version = 14 : i64} {
  func.func @_tc1_body(%arg0: i32, %arg1: memref<1024x128xf32, #tpu.memory_space<vmem>>, %arg2: memref<128x256xf32, #tpu.memory_space<vmem>>, %arg3: memref<1x256xf32, #tpu.memory_space<vmem>>, %arg4: memref<1x1024xf32, #tpu.memory_space<vmem>>, %arg5: memref<1x1024xf32, #tpu.memory_space<vmem>>, %arg6: memref<4x1024x64xf32, #tpu.memory_space<vmem>>, %arg7: memref<1024x256xf32, #tpu.memory_space<vmem>>, %arg8: memref<1x1024xf32, #tpu.memory_space<vmem>>) attributes {dimension_semantics = [#tpu.dimension_semantics<arbitrary>], iteration_bounds = array<i64: 10>, scalar_prefetch = 0 : i64, scratch_operands = 0 : i64, tpu.core_type = #tpu.core_type<tc>, window_params = [{transform_indices = @transform_0, window_bounds = array<i64: 1024, 128>}, {pipeline_mode = #tpu.pipeline_mode<synchronous>, transform_indices = @transform_1, window_bounds = array<i64: 128, 256>}, {pipeline_mode = #tpu.pipeline_mode<synchronous>, transform_indices = @transform_2, window_bounds = array<i64: 1, 256>}, {transform_indices = @transform_3, window_bounds = array<i64: 1, 1024>}, {transform_indices = @transform_4, window_bounds = array<i64: 1, 1024>}, {transform_indices = @transform_5, window_bounds = array<i64: 4, 1024, 64>}, {transform_indices = @transform_6, window_bounds = array<i64: 1024, 256>}, {transform_indices = @transform_7, window_bounds = array<i64: 1, 1024>}]} {
    %get3A = arith.constant 0 : index
    %get3A_0 = arith.constant 0 : index
    %get3A_1 = vector.load %arg4[%get3A, %get3A_0] : memref<1x1024xf32, #tpu.memory_space<vmem>>, vector<1x1024xf32>
    %get3A_2 = vector.shape_cast %get3A_1 : vector<1x1024xf32> to vector<1024xf32>
    %add3A = arith.constant 1.000000e+00 : f32
    %add3A_3 = vector.broadcast %add3A : f32 to vector<1024xf32>
    %add3A_4 = arith.addf %add3A_3, %get3A_2 : vector<1024xf32>
    %get3A_5 = arith.constant 0 : index
    %get3A_6 = arith.constant 0 : index
    %get3A_7 = vector.load %arg5[%get3A_5, %get3A_6] : memref<1x1024xf32, #tpu.memory_space<vmem>>, vector<1x1024xf32>
    %get3A_8 = vector.shape_cast %get3A_7 : vector<1x1024xf32> to vector<1024xf32>
    %add3A_9 = arith.addf %add3A_4, %get3A_8 : vector<1024xf32>
    %rsqrt3A = math.rsqrt %add3A_9 : vector<1024xf32>
    %get3A_10 = arith.constant 0 : index
    %get3A_11 = arith.constant 0 : index
    %get3A_12 = vector.load %arg1[%get3A_10, %get3A_11] : memref<1024x128xf32, #tpu.memory_space<vmem>>, vector<1024x128xf32>
    %get3A_13 = arith.constant 0 : index
    %get3A_14 = arith.constant 0 : index
    %get3A_15 = vector.load %arg2[%get3A_13, %get3A_14] : memref<128x256xf32, #tpu.memory_space<vmem>>, vector<128x256xf32>
    %dot_general3A = arith.constant dense<0.000000e+00> : vector<1024x256xf32>
    %dot_general3A_16 = tpu.matmul %get3A_12, %get3A_15, %dot_general3A {dimension_numbers = #tpu.dot_dimension_numbers<[1], [0], [0], [1], [0, 0, 1, 1], [], []>, transpose_lhs_hint = false} : vector<1024x128xf32>, vector<128x256xf32>, vector<1024x256xf32> -> vector<1024x256xf32>
    %broadcast_in_dim3A = vector.shape_cast %rsqrt3A : vector<1024xf32> to vector<1024x1xf32>
    %mul3A = vector.broadcast %broadcast_in_dim3A : vector<1024x1xf32> to vector<1024x256xf32>
    %mul3A_17 = arith.mulf %mul3A, %dot_general3A_16 : vector<1024x256xf32>
    %slice3A = vector.extract_strided_slice %mul3A_17 {offsets = [0, 0], sizes = [1024, 64], strides = [1, 1]} : vector<1024x256xf32> to vector<1024x64xf32>
    %swap3A = arith.constant 0 : index
    %swap3A_18 = arith.constant 0 : index
    %swap3A_19 = arith.constant 0 : index
    %swap3A_20 = vector.load %arg6[%swap3A, %swap3A_18, %swap3A_19] : memref<4x1024x64xf32, #tpu.memory_space<vmem>>, vector<1x1024x64xf32>
    %swap3A_21 = vector.shape_cast %swap3A_20 : vector<1x1024x64xf32> to vector<1024x64xf32>
    %swap3A_22 = vector.shape_cast %slice3A : vector<1024x64xf32> to vector<1x1024x64xf32>
    tpu.vector_store %arg6[%swap3A, %swap3A_18, %swap3A_19], %swap3A_22 {strides = array<i32>} : memref<4x1024x64xf32, #tpu.memory_space<vmem>>, vector<1x1024x64xf32>,
    %slice3A_23 = vector.extract_strided_slice %mul3A_17 {offsets = [0, 64], sizes = [1024, 64], strides = [1, 1]} : vector<1024x256xf32> to vector<1024x64xf32>
    %swap3A_24 = arith.constant 1 : index
    %swap3A_25 = arith.constant 0 : index
    %swap3A_26 = arith.constant 0 : index
    %swap3A_27 = vector.load %arg6[%swap3A_24, %swap3A_25, %swap3A_26] : memref<4x1024x64xf32, #tpu.memory_space<vmem>>, vector<1x1024x64xf32>
    %swap3A_28 = vector.shape_cast %swap3A_27 : vector<1x1024x64xf32> to vector<1024x64xf32>
    %swap3A_29 = vector.shape_cast %slice3A_23 : vector<1024x64xf32> to vector<1x1024x64xf32>
    tpu.vector_store %arg6[%swap3A_24, %swap3A_25, %swap3A_26], %swap3A_29 {strides = array<i32>} : memref<4x1024x64xf32, #tpu.memory_space<vmem>>, vector<1x1024x64xf32>,
    %slice3A_30 = vector.extract_strided_slice %mul3A_17 {offsets = [0, 128], sizes = [1024, 64], strides = [1, 1]} : vector<1024x256xf32> to vector<1024x64xf32>
    %swap3A_31 = arith.constant 2 : index
    %swap3A_32 = arith.constant 0 : index
    %swap3A_33 = arith.constant 0 : index
    %swap3A_34 = vector.load %arg6[%swap3A_31, %swap3A_32, %swap3A_33] : memref<4x1024x64xf32, #tpu.memory_space<vmem>>, vector<1x1024x64xf32>
    %swap3A_35 = vector.shape_cast %swap3A_34 : vector<1x1024x64xf32> to vector<1024x64xf32>
    %swap3A_36 = vector.shape_cast %slice3A_30 : vector<1024x64xf32> to vector<1x1024x64xf32>
    tpu.vector_store %arg6[%swap3A_31, %swap3A_32, %swap3A_33], %swap3A_36 {strides = array<i32>} : memref<4x1024x64xf32, #tpu.memory_space<vmem>>, vector<1x1024x64xf32>,
    %slice3A_37 = vector.extract_strided_slice %mul3A_17 {offsets = [0, 192], sizes = [1024, 64], strides = [1, 1]} : vector<1024x256xf32> to vector<1024x64xf32>
    %swap3A_38 = arith.constant 3 : index
    %swap3A_39 = arith.constant 0 : index
    %swap3A_40 = arith.constant 0 : index
    %swap3A_41 = vector.load %arg6[%swap3A_38, %swap3A_39, %swap3A_40] : memref<4x1024x64xf32, #tpu.memory_space<vmem>>, vector<1x1024x64xf32>
    %swap3A_42 = vector.shape_cast %swap3A_41 : vector<1x1024x64xf32> to vector<1024x64xf32>
    %swap3A_43 = vector.shape_cast %slice3A_37 : vector<1024x64xf32> to vector<1x1024x64xf32>
    tpu.vector_store %arg6[%swap3A_38, %swap3A_39, %swap3A_40], %swap3A_43 {strides = array<i32>} : memref<4x1024x64xf32, #tpu.memory_space<vmem>>, vector<1x1024x64xf32>,
    %broadcast_in_dim3A_44 = vector.shape_cast %rsqrt3A : vector<1024xf32> to vector<1024x1xf32>
    %mul3A_45 = vector.broadcast %broadcast_in_dim3A_44 : vector<1024x1xf32> to vector<1024x256xf32>
    %mul3A_46 = arith.mulf %mul3A_45, %mul3A_17 : vector<1024x256xf32>
    %get3A_47 = arith.constant 0 : index
    %get3A_48 = arith.constant 0 : index
    %get3A_49 = vector.load %arg3[%get3A_47, %get3A_48] : memref<1x256xf32, #tpu.memory_space<vmem>>, vector<1x256xf32>
    %get3A_50 = vector.shape_cast %get3A_49 : vector<1x256xf32> to vector<256xf32>
    %broadcast_in_dim3A_51 = vector.shape_cast %get3A_50 : vector<256xf32> to vector<1x256xf32>
    %add3A_52 = vector.broadcast %broadcast_in_dim3A_51 : vector<1x256xf32> to vector<1024x256xf32>
    %add3A_53 = arith.addf %mul3A_46, %add3A_52 : vector<1024x256xf32>
    %swap3A_54 = arith.constant 0 : index
    %swap3A_55 = arith.constant 0 : index
    %swap3A_56 = vector.load %arg7[%swap3A_54, %swap3A_55] : memref<1024x256xf32, #tpu.memory_space<vmem>>, vector<1024x256xf32>
    tpu.vector_store %arg7[%swap3A_54, %swap3A_55], %add3A_53 {strides = array<i32>} : memref<1024x256xf32, #tpu.memory_space<vmem>>, vector<1024x256xf32>,
    %swap3A_57 = arith.constant 0 : index
    %swap3A_58 = arith.constant 0 : index
    %swap3A_59 = vector.load %arg8[%swap3A_57, %swap3A_58] : memref<1x1024xf32, #tpu.memory_space<vmem>>, vector<1x1024xf32>
    %swap3A_60 = vector.shape_cast %swap3A_59 : vector<1x1024xf32> to vector<1024xf32>
    %swap3A_61 = vector.shape_cast %rsqrt3A : vector<1024xf32> to vector<1x1024xf32>
    tpu.vector_store %arg8[%swap3A_57, %swap3A_58], %swap3A_61 {strides = array<i32>} : memref<1x1024xf32, #tpu.memory_space<vmem>>, vector<1x1024xf32>,
    return
  }
  func.func @transform_0(%arg0: i32) -> (i32, i32) {
    %c0_i32 = arith.constant 0 : i32
    %c0_i32_0 = arith.constant 0 : i32
    return %arg0, %c0_i32 : i32, i32
  }
  func.func @transform_1(%arg0: i32) -> (i32, i32) {
    %c0_i32 = arith.constant 0 : i32
    %c0_i32_0 = arith.constant 0 : i32
    %c0_i32_1 = arith.constant 0 : i32
    return %c0_i32, %c0_i32_0 : i32, i32
  }
  func.func @transform_2(%arg0: i32) -> (i32, i32) {
    %c0_i32 = arith.constant 0 : i32
    %c0_i32_0 = arith.constant 0 : i32
    %c0_i32_1 = arith.constant 0 : i32
    return %c0_i32, %c0_i32_0 : i32, i32
  }
  func.func @transform_3(%arg0: i32) -> (i32, i32) {
    %c0_i32 = arith.constant 0 : i32
    %c0_i32_0 = arith.constant 0 : i32
    return %c0_i32, %arg0 : i32, i32
  }
  func.func @transform_4(%arg0: i32) -> (i32, i32) {
    %c0_i32 = arith.constant 0 : i32
    %c0_i32_0 = arith.constant 0 : i32
    return %c0_i32, %arg0 : i32, i32
  }
  func.func @transform_5(%arg0: i32) -> (i32, i32, i32) {
    %c0_i32 = arith.constant 0 : i32
    %c0_i32_0 = arith.constant 0 : i32
    %c0_i32_1 = arith.constant 0 : i32
    return %c0_i32, %arg0, %c0_i32_0 : i32, i32, i32
  }
  func.func @transform_6(%arg0: i32) -> (i32, i32) {
    %c0_i32 = arith.constant 0 : i32
    %c0_i32_0 = arith.constant 0 : i32
    return %arg0, %c0_i32 : i32, i32
  }
  func.func @transform_7(%arg0: i32) -> (i32, i32) {
    %c0_i32 = arith.constant 0 : i32
    %c0_i32_0 = arith.constant 0 : i32
    return %c0_i32, %arg0 : i32, i32
  }
}

module attributes {stable_mosaic.version = 14 : i64} {
  func.func @_tc_step_body(%arg0: i32, %arg1: memref<4x1024x64xf32, #tpu.memory_space<vmem>>, %arg2: memref<1024x256xf32, #tpu.memory_space<vmem>>, %arg3: memref<1x1024xf32, #tpu.memory_space<vmem>>, %arg4: memref<256x256xf32, #tpu.memory_space<vmem>>, %arg5: memref<1x256xf32, #tpu.memory_space<vmem>>, %arg6: memref<4x1024x64xf32, #tpu.memory_space<vmem>>, %arg7: memref<1024x256xf32, #tpu.memory_space<vmem>>, %arg8: memref<1024x256xf32, #tpu.memory_space<vmem>>) attributes {dimension_semantics = [#tpu.dimension_semantics<arbitrary>], iteration_bounds = array<i64: 10>, scalar_prefetch = 0 : i64, scratch_operands = 0 : i64, tpu.core_type = #tpu.core_type<tc>, window_params = [{transform_indices = @transform_0, window_bounds = array<i64: 4, 1024, 64>}, {transform_indices = @transform_1, window_bounds = array<i64: 1024, 256>}, {transform_indices = @transform_2, window_bounds = array<i64: 1, 1024>}, {pipeline_mode = #tpu.pipeline_mode<synchronous>, transform_indices = @transform_3, window_bounds = array<i64: 256, 256>}, {pipeline_mode = #tpu.pipeline_mode<synchronous>, transform_indices = @transform_4, window_bounds = array<i64: 1, 256>}, {transform_indices = @transform_5, window_bounds = array<i64: 4, 1024, 64>}, {transform_indices = @transform_6, window_bounds = array<i64: 1024, 256>}, {transform_indices = @transform_7, window_bounds = array<i64: 1024, 256>}]} {
    %get3A = arith.constant 0 : index
    %get3A_0 = arith.constant 0 : index
    %get3A_1 = vector.load %arg3[%get3A, %get3A_0] : memref<1x1024xf32, #tpu.memory_space<vmem>>, vector<1x1024xf32>
    %get3A_2 = vector.shape_cast %get3A_1 : vector<1x1024xf32> to vector<1024xf32>
    %get3A_3 = arith.constant 0 : index
    %get3A_4 = arith.constant 0 : index
    %get3A_5 = arith.constant 0 : index
    %get3A_6 = vector.load %arg1[%get3A_3, %get3A_4, %get3A_5] : memref<4x1024x64xf32, #tpu.memory_space<vmem>>, vector<1x1024x64xf32>
    %get3A_7 = vector.shape_cast %get3A_6 : vector<1x1024x64xf32> to vector<1024x64xf32>
    %get3A_8 = arith.constant 1 : index
    %get3A_9 = arith.constant 0 : index
    %get3A_10 = arith.constant 0 : index
    %get3A_11 = vector.load %arg1[%get3A_8, %get3A_9, %get3A_10] : memref<4x1024x64xf32, #tpu.memory_space<vmem>>, vector<1x1024x64xf32>
    %get3A_12 = vector.shape_cast %get3A_11 : vector<1x1024x64xf32> to vector<1024x64xf32>
    %get3A_13 = arith.constant 2 : index
    %get3A_14 = arith.constant 0 : index
    %get3A_15 = arith.constant 0 : index
    %get3A_16 = vector.load %arg1[%get3A_13, %get3A_14, %get3A_15] : memref<4x1024x64xf32, #tpu.memory_space<vmem>>, vector<1x1024x64xf32>
    %get3A_17 = vector.shape_cast %get3A_16 : vector<1x1024x64xf32> to vector<1024x64xf32>
    %get3A_18 = arith.constant 3 : index
    %get3A_19 = arith.constant 0 : index
    %get3A_20 = arith.constant 0 : index
    %get3A_21 = vector.load %arg1[%get3A_18, %get3A_19, %get3A_20] : memref<4x1024x64xf32, #tpu.memory_space<vmem>>, vector<1x1024x64xf32>
    %get3A_22 = vector.shape_cast %get3A_21 : vector<1x1024x64xf32> to vector<1024x64xf32>
    %concatenate3A = tpu.concatenate %get3A_7, %get3A_12, %get3A_17, %get3A_22 in 1 : vector<1024x64xf32>, vector<1024x64xf32>, vector<1024x64xf32>, vector<1024x64xf32> -> vector<1024x256xf32>
    %broadcast_in_dim3A = vector.shape_cast %get3A_2 : vector<1024xf32> to vector<1024x1xf32>
    %mul3A = vector.broadcast %broadcast_in_dim3A : vector<1024x1xf32> to vector<1024x256xf32>
    %mul3A_23 = arith.mulf %mul3A, %concatenate3A : vector<1024x256xf32>
    %get3A_24 = arith.constant 0 : index
    %get3A_25 = arith.constant 0 : index
    %get3A_26 = vector.load %arg2[%get3A_24, %get3A_25] : memref<1024x256xf32, #tpu.memory_space<vmem>>, vector<1024x256xf32>
    %add3A = arith.addf %mul3A_23, %get3A_26 : vector<1024x256xf32>
    %max3A = arith.constant 0.000000e+00 : f32
    %max3A_27 = vector.broadcast %max3A : f32 to vector<1024x256xf32>
    %max3A_28 = arith.maximumf %add3A, %max3A_27 : vector<1024x256xf32>
    %get3A_29 = arith.constant 0 : index
    %get3A_30 = arith.constant 0 : index
    %get3A_31 = vector.load %arg4[%get3A_29, %get3A_30] : memref<256x256xf32, #tpu.memory_space<vmem>>, vector<256x256xf32>
    %dot_general3A = arith.constant dense<0.000000e+00> : vector<1024x256xf32>
    %dot_general3A_32 = tpu.matmul %max3A_28, %get3A_31, %dot_general3A {dimension_numbers = #tpu.dot_dimension_numbers<[1], [0], [0], [1], [0, 0, 1, 1], [], []>, transpose_lhs_hint = false} : vector<1024x256xf32>, vector<256x256xf32>, vector<1024x256xf32> -> vector<1024x256xf32>
    %broadcast_in_dim3A_33 = vector.shape_cast %get3A_2 : vector<1024xf32> to vector<1024x1xf32>
    %mul3A_34 = vector.broadcast %broadcast_in_dim3A_33 : vector<1024x1xf32> to vector<1024x256xf32>
    %mul3A_35 = arith.mulf %mul3A_34, %dot_general3A_32 : vector<1024x256xf32>
    %slice3A = vector.extract_strided_slice %mul3A_35 {offsets = [0, 0], sizes = [1024, 64], strides = [1, 1]} : vector<1024x256xf32> to vector<1024x64xf32>
    %swap3A = arith.constant 0 : index
    %swap3A_36 = arith.constant 0 : index
    %swap3A_37 = arith.constant 0 : index
    %swap3A_38 = vector.load %arg6[%swap3A, %swap3A_36, %swap3A_37] : memref<4x1024x64xf32, #tpu.memory_space<vmem>>, vector<1x1024x64xf32>
    %swap3A_39 = vector.shape_cast %swap3A_38 : vector<1x1024x64xf32> to vector<1024x64xf32>
    %swap3A_40 = vector.shape_cast %slice3A : vector<1024x64xf32> to vector<1x1024x64xf32>
    tpu.vector_store %arg6[%swap3A, %swap3A_36, %swap3A_37], %swap3A_40 {strides = array<i32>} : memref<4x1024x64xf32, #tpu.memory_space<vmem>>, vector<1x1024x64xf32>,
    %slice3A_41 = vector.extract_strided_slice %mul3A_35 {offsets = [0, 64], sizes = [1024, 64], strides = [1, 1]} : vector<1024x256xf32> to vector<1024x64xf32>
    %swap3A_42 = arith.constant 1 : index
    %swap3A_43 = arith.constant 0 : index
    %swap3A_44 = arith.constant 0 : index
    %swap3A_45 = vector.load %arg6[%swap3A_42, %swap3A_43, %swap3A_44] : memref<4x1024x64xf32, #tpu.memory_space<vmem>>, vector<1x1024x64xf32>
    %swap3A_46 = vector.shape_cast %swap3A_45 : vector<1x1024x64xf32> to vector<1024x64xf32>
    %swap3A_47 = vector.shape_cast %slice3A_41 : vector<1024x64xf32> to vector<1x1024x64xf32>
    tpu.vector_store %arg6[%swap3A_42, %swap3A_43, %swap3A_44], %swap3A_47 {strides = array<i32>} : memref<4x1024x64xf32, #tpu.memory_space<vmem>>, vector<1x1024x64xf32>,
    %slice3A_48 = vector.extract_strided_slice %mul3A_35 {offsets = [0, 128], sizes = [1024, 64], strides = [1, 1]} : vector<1024x256xf32> to vector<1024x64xf32>
    %swap3A_49 = arith.constant 2 : index
    %swap3A_50 = arith.constant 0 : index
    %swap3A_51 = arith.constant 0 : index
    %swap3A_52 = vector.load %arg6[%swap3A_49, %swap3A_50, %swap3A_51] : memref<4x1024x64xf32, #tpu.memory_space<vmem>>, vector<1x1024x64xf32>
    %swap3A_53 = vector.shape_cast %swap3A_52 : vector<1x1024x64xf32> to vector<1024x64xf32>
    %swap3A_54 = vector.shape_cast %slice3A_48 : vector<1024x64xf32> to vector<1x1024x64xf32>
    tpu.vector_store %arg6[%swap3A_49, %swap3A_50, %swap3A_51], %swap3A_54 {strides = array<i32>} : memref<4x1024x64xf32, #tpu.memory_space<vmem>>, vector<1x1024x64xf32>,
    %slice3A_55 = vector.extract_strided_slice %mul3A_35 {offsets = [0, 192], sizes = [1024, 64], strides = [1, 1]} : vector<1024x256xf32> to vector<1024x64xf32>
    %swap3A_56 = arith.constant 3 : index
    %swap3A_57 = arith.constant 0 : index
    %swap3A_58 = arith.constant 0 : index
    %swap3A_59 = vector.load %arg6[%swap3A_56, %swap3A_57, %swap3A_58] : memref<4x1024x64xf32, #tpu.memory_space<vmem>>, vector<1x1024x64xf32>
    %swap3A_60 = vector.shape_cast %swap3A_59 : vector<1x1024x64xf32> to vector<1024x64xf32>
    %swap3A_61 = vector.shape_cast %slice3A_55 : vector<1024x64xf32> to vector<1x1024x64xf32>
    tpu.vector_store %arg6[%swap3A_56, %swap3A_57, %swap3A_58], %swap3A_61 {strides = array<i32>} : memref<4x1024x64xf32, #tpu.memory_space<vmem>>, vector<1x1024x64xf32>,
    %broadcast_in_dim3A_62 = vector.shape_cast %get3A_2 : vector<1024xf32> to vector<1024x1xf32>
    %mul3A_63 = vector.broadcast %broadcast_in_dim3A_62 : vector<1024x1xf32> to vector<1024x256xf32>
    %mul3A_64 = arith.mulf %mul3A_63, %mul3A_35 : vector<1024x256xf32>
    %get3A_65 = arith.constant 0 : index
    %get3A_66 = arith.constant 0 : index
    %get3A_67 = vector.load %arg5[%get3A_65, %get3A_66] : memref<1x256xf32, #tpu.memory_space<vmem>>, vector<1x256xf32>
    %get3A_68 = vector.shape_cast %get3A_67 : vector<1x256xf32> to vector<256xf32>
    %broadcast_in_dim3A_69 = vector.shape_cast %get3A_68 : vector<256xf32> to vector<1x256xf32>
    %add3A_70 = vector.broadcast %broadcast_in_dim3A_69 : vector<1x256xf32> to vector<1024x256xf32>
    %add3A_71 = arith.addf %mul3A_64, %add3A_70 : vector<1024x256xf32>
    %swap3A_72 = arith.constant 0 : index
    %swap3A_73 = arith.constant 0 : index
    %swap3A_74 = vector.load %arg7[%swap3A_72, %swap3A_73] : memref<1024x256xf32, #tpu.memory_space<vmem>>, vector<1024x256xf32>
    tpu.vector_store %arg7[%swap3A_72, %swap3A_73], %add3A_71 {strides = array<i32>} : memref<1024x256xf32, #tpu.memory_space<vmem>>, vector<1024x256xf32>,
    %swap3A_75 = arith.constant 0 : index
    %swap3A_76 = arith.constant 0 : index
    %swap3A_77 = vector.load %arg8[%swap3A_75, %swap3A_76] : memref<1024x256xf32, #tpu.memory_space<vmem>>, vector<1024x256xf32>
    tpu.vector_store %arg8[%swap3A_75, %swap3A_76], %add3A {strides = array<i32>} : memref<1024x256xf32, #tpu.memory_space<vmem>>, vector<1024x256xf32>,
    return
  }
  func.func @transform_0(%arg0: i32) -> (i32, i32, i32) {
    %c0_i32 = arith.constant 0 : i32
    %c0_i32_0 = arith.constant 0 : i32
    %c0_i32_1 = arith.constant 0 : i32
    return %c0_i32, %arg0, %c0_i32_0 : i32, i32, i32
  }
  func.func @transform_1(%arg0: i32) -> (i32, i32) {
    %c0_i32 = arith.constant 0 : i32
    %c0_i32_0 = arith.constant 0 : i32
    return %arg0, %c0_i32 : i32, i32
  }
  func.func @transform_2(%arg0: i32) -> (i32, i32) {
    %c0_i32 = arith.constant 0 : i32
    %c0_i32_0 = arith.constant 0 : i32
    return %c0_i32, %arg0 : i32, i32
  }
  func.func @transform_3(%arg0: i32) -> (i32, i32) {
    %c0_i32 = arith.constant 0 : i32
    %c0_i32_0 = arith.constant 0 : i32
    %c0_i32_1 = arith.constant 0 : i32
    return %c0_i32, %c0_i32_0 : i32, i32
  }
  func.func @transform_4(%arg0: i32) -> (i32, i32) {
    %c0_i32 = arith.constant 0 : i32
    %c0_i32_0 = arith.constant 0 : i32
    %c0_i32_1 = arith.constant 0 : i32
    return %c0_i32, %c0_i32_0 : i32, i32
  }
  func.func @transform_5(%arg0: i32) -> (i32, i32, i32) {
    %c0_i32 = arith.constant 0 : i32
    %c0_i32_0 = arith.constant 0 : i32
    %c0_i32_1 = arith.constant 0 : i32
    return %c0_i32, %arg0, %c0_i32_0 : i32, i32, i32
  }
  func.func @transform_6(%arg0: i32) -> (i32, i32) {
    %c0_i32 = arith.constant 0 : i32
    %c0_i32_0 = arith.constant 0 : i32
    return %arg0, %c0_i32 : i32, i32
  }
  func.func @transform_7(%arg0: i32) -> (i32, i32) {
    %c0_i32 = arith.constant 0 : i32
    %c0_i32_0 = arith.constant 0 : i32
    return %arg0, %c0_i32 : i32, i32
  }
}

</mosaic_0001>

<sc_bundles>
// kernel: closed_call.16.cloned.1.call-start
scs
__scs_entry_jumppad:
0x0: {  	(pc) =	sbr.rel $0x88, $3  }
0x1: {  	(tag) =	ssettag $0x0;
	lr =	simm.s32 $0x1  }
0x2: {  	[smem:$0x3F99] =	sst lr;
	_ =	strace $0xD0000000  }
0x3: {  	_ = 	snop  }
0x4: {  	_ = 	snop  }
0x5: {  	_ = 	snop  }
0x6: {  	_ = 	snop  }
0x7: {  	_ = 	snop  }
__scs_overlays_trampoline_lowered:
0x8: {  	[smem:$0x3FA8] =	sst s0  }
0x9: {  	[smem:$0x3FA9] =	sst s1  }
0xa: {  	[smem:$0x3FAA] =	sst s2  }
0xb: {  	[smem:$0x3FAB] =	sst s3  }
0xc: {  	[smem:$0x3FAC] =	sst s4  }
0xd: {  	[smem:$0x3FAD] =	sst s5  }
0xe: {  	[smem:$0x3FAE] =	sst s6  }
0xf: {  	[smem:$0x3FAF] =	sst s7  }
0x10: {  	[smem:$0x3FB0] =	sst s8  }
0x11: {  	[smem:$0x3FB1] =	sst s9;
	s0 =	simm.s32 @!p0 $0x0  }
0x12: {  	s1 =	sld [smem:$0x3F97];
	s0 =	simm.s32 @p0 $0x1  }
0x13: {  	[smem:$0x3FB2] =	sst s0;
	s0 =	simm.s32 @!p1 $0x0  }
0x14: {  	s2 =	sld [smem:$0x3F96];
	s0 =	simm.s32 @p1 $0x1  }
0x15: {  	[smem:$0x3FB3] =	sst s0;
	s0 =	simm.s32 @!p2 $0x0  }
0x16: {  	s3 =	sld [smem:$0x3FDB];
	s0 =	simm.s32 @p2 $0x1  }
0x17: {  	s4 =	simm.s32 $0x1BF5;
	[smem:$0x3FB5] =	sst s0  }
0x18: {  	s0 =	sld [smem:$0x3F98];
	_ =	swait.ge [sflag:s4], $0x0  }
0x19: {  	s7 =	sld [smem:$0x3F99]  }
0x1a: {  	s8 =	sadd.s32 $0xFFFFE003, lr  }
0x1b: {  	s9 =	sadd.s32 $0xFFFFFEF7, lr;
	s5 =	simm.s32 $0xFFFFFFFF;
	p2 =	slt.u32 s8, $0xFFFFF086  }
0x1c: {  	p1 =	slt.u32 s9, $0xF7A;
	s5 =	simm.s32 @!p2 $0x0  }
0x1d: {  	s5 =	simm.s32 @p1 $0x1;
	p0 =	seq.s32 s7, s2  }
0x1e: {  	s7 =	smul.u32 @!p0 $0xF7A, s2;
	p2 =	seq.s32 @!p0 s5, $0x0  }
0x1f: {  	s9 =	smul.u32 $0xF7A, s1;
	s8 =	simm.s32 @!p0 $0x1BF5;
	p2 =	por !p2, p0  }
0x20: {  	[sflag:s8] =	ssyncset.s32 @!p0 $0xFFFFF086;
	s6 =	sadd.s32 @!p0 s3, s7;
	s7 =	simm.s32 @!p0 $0x108  }
0x21: {  	s3 =	sadd.s32 s3, s9;
	s6 =	sadd.s32 @!p0 $0x88, s6;
	s7 =	simm.s32 @p2 $0x1082  }
0x22: {  	[simem:s7], [sflag:s8] =	dma.local @!p0 [hbm:s6], $0xF7A  }
0x23: {  	s9 =	sor.u32 $0xD0000000, s2;
	s6 =	simm.s32 $0x108;
	_ =	swait.ge @!p0 [sflag:s8], $0x0  }
0x24: {  	s3 =	sadd.s32 $0x88, s3;
	s6 =	simm.s32 @!p1 $0x1082;
	[sflag:s4] =	ssyncset.s32 $0xFFFFF086  }
0x25: {  	[simem:s6], [sflag:s4] =	dma.local [hbm:s3], $0xF7A  }
0x26: {  	[smem:$0x3F99] =	sst s1;
	(tag) =	ssettag s2;
	_ =	strace s9  }
0x27: {  	s1 =	sld [smem:$0x3FA9]  }
0x28: {  	s2 =	sld [smem:$0x3FAA]  }
0x29: {  	s4 =	sld [smem:$0x3FAC]  }
0x2a: {  	p0 =	seq.s32 s5, $0x0;
	s5 =	sld [smem:$0x3FAD]  }
0x2b: {  	s6 =	sld [smem:$0x3FAE]  }
0x2c: {  	s7 =	sld [smem:$0x3FAF]  }
0x2d: {  	s3 =	simm.s32 $0x108;
	s8 =	sld [smem:$0x3FB0]  }
0x2e: {  	s3 =	simm.s32 @!p0 $0x1082;
	s9 =	sld [smem:$0x3FB1]  }
0x2f: {  	lr =	sadd.s32 s0, s3;
	s0 =	sld [smem:$0x3FA8]  }
0x30: {  	s3 =	sld [smem:$0x3FAB]  }
0x31: {  	[smem:$0x3FB4] =	sst s10  }
0x32: {  	s10 =	sld [smem:$0x3FB2];
	_ =	sdelay $0x3  }
0x33: {  	p0 =	seq.s32 s10, $0x1;
	s10 =	sld [smem:$0x3FB4];
	_ =	sdelay $0x3  }
0x34: {  	[smem:$0x3FB4] =	sst s10  }
0x35: {  	s10 =	sld [smem:$0x3FB3];
	_ =	sdelay $0x3  }
0x36: {  	p1 =	seq.s32 s10, $0x1;
	s10 =	sld [smem:$0x3FB4];
	_ =	sdelay $0x3  }
0x37: {  	[smem:$0x3FB4] =	sst s10  }
0x38: {  	s10 =	sld [smem:$0x3FB5]  }
0x39: {  	_ = 	snop;
	(pc) =	sbr.ind lr, $3  }
0x3a: {  	_ = 	snop  }
0x3b: {  	_ = 	snop  }
0x3c: {  	p2 =	seq.s32 s10, $0x1;
	s10 =	sld [smem:$0x3FB4]  }
0x3d: {  	_ =	shalt  }
0x3e: {  	_ =	shalt  }
0x3f: {  	_ =	shalt  }
0x40: {  	_ =	shalt  }
0x41: {  	_ =	shalt  }
0x42: {  	_ =	shalt  }
0x43: {  	_ =	shalt  }
0x44: {  	_ =	shalt  }
0x45: {  	_ =	shalt  }
0x46: {  	_ =	shalt  }
0x47: {  	_ =	shalt  }
0x48: {  	_ =	shalt  }
0x49: {  	_ =	shalt  }
0x4a: {  	_ =	shalt  }
0x4b: {  	_ =	shalt  }
0x4c: {  	_ =	shalt  }
0x4d: {  	_ =	shalt  }
0x4e: {  	_ =	shalt  }
0x4f: {  	_ =	shalt  }
0x50: {  	_ =	shalt  }
0x51: {  	_ =	shalt  }
0x52: {  	_ =	shalt  }
0x53: {  	_ =	shalt  }
0x54: {  	_ =	shalt  }
0x55: {  	_ =	shalt  }
0x56: {  	_ =	shalt  }
0x57: {  	_ =	shalt  }
0x58: {  	_ =	shalt  }
0x59: {  	_ =	shalt  }
0x5a: {  	_ =	shalt  }
0x5b: {  	_ =	shalt  }
0x5c: {  	_ =	shalt  }
0x5d: {  	_ =	shalt  }
0x5e: {  	_ =	shalt  }
0x5f: {  	_ =	shalt  }
0x60: {  	_ =	shalt  }
0x61: {  	_ =	shalt  }
0x62: {  	_ =	shalt  }
0x63: {  	_ =	shalt  }
0x64: {  	_ =	shalt  }
0x65: {  	_ =	shalt  }
0x66: {  	_ =	shalt  }
0x67: {  	_ =	shalt  }
0x68: {  	_ =	shalt  }
0x69: {  	_ =	shalt  }
0x6a: {  	_ =	shalt  }
0x6b: {  	_ =	shalt  }
0x6c: {  	_ =	shalt  }
0x6d: {  	_ =	shalt  }
0x6e: {  	_ =	shalt  }
0x6f: {  	_ =	shalt  }
0x70: {  	_ =	shalt  }
0x71: {  	_ =	shalt  }
0x72: {  	_ =	shalt  }
0x73: {  	_ =	shalt  }
0x74: {  	_ =	shalt  }
0x75: {  	_ =	shalt  }
0x76: {  	_ =	shalt  }
0x77: {  	_ =	shalt  }
0x78: {  	_ =	shalt  }
0x79: {  	_ =	shalt  }
0x7a: {  	_ =	shalt  }
0x7b: {  	_ =	shalt  }
0x7c: {  	_ =	shalt  }
0x7d: {  	_ =	shalt  }
0x7e: {  	_ =	shalt  }
0x7f: {  	_ =	shalt  }
0x80: {  	_ =	shalt  }
0x81: {  	_ =	shalt  }
0x82: {  	_ =	shalt  }
0x83: {  	_ =	shalt  }
0x84: {  	_ =	shalt  }
0x85: {  	_ =	shalt  }
0x86: {  	_ =	shalt  }
0x87: {  	_ =	shalt  }
.Lfunc_end0:
.L_simem_size_0:
called_computation_lowered:
.L_overlay_start_0:
0x88: {  	s2 =	sld [smem:$0x3FD9]  }
0x89: {  	s3 =	sld [smem:$0x3FFE];
	_ =	sdelay $0x1  }
0x8a: {  	s1 =	srdreg.scid  }
0x8b: {  	s0 =	sand.u32 $0x1, s1  }
0x8c: {  	s14 =	sshll.u32 s0, $0xA;
	s2 =	sadd.s32 s3, s2  }
0x8d: {  	s2 =	sadd.s32 s2, s14  }
0x8e: {  	[smem:$0x3FC0] =	sst s2  }
0x8f: {  	_ = 	snop  }
0x90: {  	s2 =	sld [smem:$0x3FD0];
	_ =	sdelay $0x2  }
0x91: {  	s15 =	simm.s32 $0xA;
	s4 =	simm.s32 $0x10  }
0x92: {  	[smem:s4], [sflag:s15] =	dma.local [hbm:s2], $0x1  }
0x93: {  	_ =	swait.eq [sflag:s15], $0x1  }
0x94: {  	[sflag:s15] =	ssyncset.done $0x0  }
0x95: {  	s16 =	sld [smem:$0x10];
	[sflag:s15] =	ssyncadd.s32 $0xFFFFFFFF  }
0x96: {  	s17 =	sld [smem:$0x11];
	(tm) =	ssettm $0x1  }
0x97: {  	s18 =	sld [smem:$0x3FFB];
	_ =	sdelay $0x3  }
0x98: {  	_ =	strace s18  }
0x99: {  	s4 =	sld [smem:$0x3FFC];
	_ =	sdelay $0x3  }
0x9a: {  	_ =	strace s4  }
0x9b: {  	s4 =	sld [smem:$0x3FFD];
	_ =	sdelay $0x3  }
0x9c: {  	_ =	strace s4  }
0x9d: {  	_ =	strace $0x8FFFFFFF  }
0x9e: {  	s19 =	sld [smem:$0x3FDB];
	_ =	sdelay $0x1  }
0x9f: {  	s5 =	simm.s32 $_scs_section_size  }
0xa0: {  	s6 =	simm.s32 $_size__tile_overlayer_lowered;
	s7 =	simm.s32 $_tile_overlayer_lowered  }
0xa1: {  	s22 =	simm.s32 $0x1BFF;
	s21 =	sshll.u32 s7, $0x1;
	s4 =	sadd.s32 s5, s19  }
0xa2: {  	s8 =	simm.s32 $0x0;
	s20 =	sshll.u32 s6, $0x1;
	s6 =	sadd.s32 s21, s4  }
0xa3: {  	[timem:s8], [sflag:s22] =	dma.local [hbm:s6], s20  }
0xa4: {  	_ =	swait.ge [sflag:s22], s20  }
0xa5: {  	s5 =	ssub.s32 $0x0, s20;
	[sflag:s22] =	ssyncset.done $0x0  }
0xa6: {  	[sflag:s22] =	ssyncadd.s32 s5;
	_ =	sdelay $0x1  }
0xa7: {  	s23 =	simm.s32 $0x1B8B  }
0xa8: {  	_ =	swait.ge [sflag:s23], $0x1  }
0xa9: {  	[sflag:s23] =	ssyncset.done $0x0  }
0xaa: {  	s25 =	simm.s32 $0x1B8E;
	s24 =	sld [smem:$0x3FFE];
	[sflag:s23] =	ssyncadd.s32 $0xFFFFFFFF  }
0xab: {  	s26 =	simm.s32 $execute0_lowered;
	[smem:$0x3FD2] =	sst s25  }
0xac: {  	s6 =	sshll.u32 s26, $0x1;
	_ =	strace $0x80000049;
	[dreg:$0x1] =	wrdreg $0xFFFFFFFF  }
0xad: {  	s28 =	simm.s32 $_size_execute0_lowered;
	s4 =	sadd.s32 s4, s6;
	[dreg:$0x0] =	wrdreg $0x0  }
0xae: {  	s6 =	sshll.u32 s28, $0x1;
	[dreg:$0x2] =	wrdreg s4  }
0xaf: {  	[dreg:$0x3] =	wrdreg s6  }
0xb0: {  	[dreg:$0x4] =	wrdreg $0xC0  }
0xb1: {  	_ =	task [dreg:s8], $0x5FFFF  }
0xb2: {  	[dreg:$0x1] =	wrdreg $0xFFFFFFFF  }
0xb3: {  	[dreg:$0x0] =	wrdreg $0x60  }
0xb4: {  	[dreg:$0x2] =	wrdreg s24  }
0xb5: {  	[dreg:$0x3] =	wrdreg s16  }
0xb6: {  	[dreg:$0x4] =	wrdreg s17  }
0xb7: {  	[dreg:$0x5] =	wrdreg $0x90000  }
0xb8: {  	[dreg:$0x6] =	wrdreg $0x9  }
0xb9: {  	_ =	task.clear_ibuf [dreg:s8], $0x7FFFF;
	_ =	strace $0x90000049  }
0xba: {  	s29 =	simm.s32 $0x9;
	_ =	strace $0x8000004B  }
0xbb: {  	_ =	swait.ge [sflag:s29], $0x1  }
0xbc: {  	[sflag:s29] =	ssyncadd.s32 $0xFFFFFFFF  }
0xbd: {  	_ =	strace $0x9000004B  }
0xbe: {  	_ =	sfence  }
0xbf: {  	s30 =	sld [smem:$0x0];
	_ =	sdelay $0x2  }
0xc0: {  	s31 =	sshll.u32 s1, $0xD;
	s1 =	sshrl.u32 s1, $0x2  }
0xc1: {  	s3 =	sand.u32 $0x4000, s31;
	s1 =	sadd.s32 s1, s30  }
0xc2: {  	s0 =	sor.u32 s3, s0;
	s1 =	sshll.u32 s1, $0x11  }
0xc3: {  	s0 =	sor.u32 s1, s0  }
0xc4: {  	s0 =	sadd.s32 $0x8F2B, s0  }
0xc5: {  	[sflag:s0] =	ssyncadd.remote.s32 $0x1  }
0xc6: {  	_ =	sfence.sel $0xFFFF  }
0xc7: {  	[dreg:$0x0] =	wrdreg $0xFFFFFFFF;
	(pc) =	sbr.abs _section_cstart, $3  }
0xc8: {  	[dreg:$0x1] =	wrdreg $0xFFFFFFFF  }
0xc9: {  	_ =	task.clear_ibuf [dreg:s8], $0x2FFFF;
	_ =	strace $0x9FFFFFFF  }
0xca: {  	(tm) =	ssettm $0x7FFFFFFF  }
0xcb: {  	_ =	shalt  }
tec
execute0_lowered:
.L_overlay_start_1:
0x0: {  	(tag) =	ssettag $0x1  }
0x1: {  	s6 =	rddreg [dreg:$0x0]  }
0x2: {  	s10 =	rddreg [dreg:$0x1]  }
0x3: {  	s1 =	rddreg [dreg:$0x2]  }
0x4: {  	s2 =	rddreg [dreg:$0x3];
	s3 =	simm.s32 $0x0  }
0x5: {  	s4 =	srdreg.scid;
	s0 =	stileid.u32;
	s28 =	simm.s32 $0x0  }
0x6: {  	[smem:$0x7FF] =	sst s3;
	s5 =	sadd.s32 $0x1BB400, s6;
	s12 =	smul.u32 $0x5000, s0  }
0x7: {  	s9 =	sand.u32 $0x1, s4;
	s13 =	sadd.s32 $0x193400, s6;
	s14 =	smul.u32 $0xA000, s0  }
0x8: {  	s15 =	sadd.s32 $0x20B400, s6;
	s23 =	sshll.u32 s0, $0x6;
	_ =	strace $0x8000004A  }
0x9: {  	s8 =	smul.u32 $0xA0000, s9;
	s7 =	ssub.s32 $0x2, s9;
	s6 =	sor.u32 $0x1C03, s23  }
0xa: {  	s20 =	smul.u32 $0x140000, s9;
	s29 =	sshllo.u32 s9, $0x1;
	s23 =	simm.s32 $0x2  }
0xb: {  	s11 =	sshrl.u32 s7, $0x1;
	s17 =	sadd.s32 s14, s2;
	s18 =	sadd.s32 $0x2800, s12  }
0xc: {  	s25 =	sshrl.u32 s12, $0x3;
	s31 =	smul.u32 $0x50000, s29;
	s16 =	ssub.s32 s7, s11  }
0xd: {  	s22 =	sadd.s32 s12, s8;
	s19 =	sadd.s32 s8, s18;
	s8 =	sadd.s32 s10, s25  }
0xe: {  	s30 =	sadd.s32 s14, s20;
	s21 =	sshrl.u32 s18, $0x3;
	s20 =	simm.s32 $0x5000  }
0xf: {  	s25 =	simm.s32 $0x4F00;
	s24 =	sshrl.u32 s22, $0x3;
	s26 =	sshrl.u32 s19, $0x3  }
0x10: {  	s11 =	sshrl.u32 s30, $0x3;
	s19 =	smul.u32 $0xA0000, s29;
	s10 =	sadd.s32 s10, s21  }
0x11: {  	s12 =	sadd.s32 s12, s31;
	s18 =	sadd.s32 s18, s31;
	s21 =	simm.s32 $0x7000  }
0x12: {  	s22 =	simm.s32 $0x1;
	s7 =	sadd.s32 s13, s24;
	s9 =	sadd.s32 s13, s26  }
0x13: {  	s11 =	sadd.s32 s15, s11;
	s12 =	sshrl.u32 s12, $0x3;
	s18 =	sshrl.u32 s18, $0x3  }
0x14: {  	s24 =	simm.s32 $0x2780;
	s26 =	simm.s32 $0x4F80;
	s14 =	sadd.s32 s14, s19  }
0x15: {  	s12 =	sadd.s32 s13, s12;
	s13 =	sadd.s32 s13, s18;
	s14 =	sshrl.u32 s14, $0x3  }
0x16: {  	s18 =	simm.s32 $0x2800;
	s19 =	simm.s32 $0x80;
	s14 =	sadd.s32 s15, s14  }
0x17: {  	s15 =	smax.u32 s16, $0x1;
	s16 =	sshrl.u32 s17, $0x3;
	s17 =	simm.s32 $0x3  }
.LBB2_1:
0x18: {  	[spmem:s16], [sflag:s6] =	dma.local [hbm:s1], $0x1400  }
0x19: {  	_ =	swait.ge [sflag:s17], $0x1400  }
0x1a: {  	[sflag:s17] =	ssyncset.done $0x0  }
0x1b: {  	[sflag:s17] =	ssyncadd.s32 $0xFFFFEC00  }
0x1c: {  	[bflag:$0x0] =	sbarrier.arrive $0xFFFF  }
0x1d: {  	[tilespmem:s3], [sflag:$0x3] =	stream.linear.gather [hbm4b:s7+s3], $0x2800, $0x38;
	[tilespmem:$0x1D000] =	vst v63  }
0x1e: {  	_ =	swait.ge [sflag:s17], $0x2800  }
0x1f: {  	[sflag:s17] =	ssyncset.done $0x0  }
0x20: {  	[sflag:s17] =	ssyncadd.s32 $0xFFFFD800  }
0x21: {  	[tilespmem:s18], [sflag:$0x3] =	stream.linear.gather [hbm4b:s8+s3], $0x2800, $0x38;
	[tilespmem:$0x1D000] =	vst v63  }
0x22: {  	_ =	swait.ge [sflag:s17], $0x2800  }
0x23: {  	[sflag:s17] =	ssyncset.done $0x0  }
0x24: {  	[sflag:s17] =	ssyncadd.s32 $0xFFFFD800  }
0x25: {  	[tilespmem:s20], [sflag:$0x1] =	stream.indirect.gather [hbm4b:s5+s19], $0x40, s3, s19, $0xb8;
	[tilespmem:$0x1D000] =	vst v63  }
0x26: {  	s29 =	simm.s32 $0x80  }
0x27: {  	[tilespmem:s21], [sflag:$0x2] =	stream.indirect.gather [hbm4b:s5+s19], $0x40, s29, s19, $0xb8;
	[tilespmem:$0x1D000] =	vst v63  }
0x28: {  	_ =	swait.ge [sflag:s22], $0x2000  }
0x29: {  	[sflag:s22] =	ssyncset.done $0x0  }
0x2a: {  	s29 =	simm.s32 $0x2800;
	[sflag:s22] =	ssyncadd.s32 $0xFFFFE000  }
0x2b: {  	[spmem:s2] =	stream.indirect.scatter.add.f32 [tilespmem:s20], [sflag:$0x3], $0x40, s29, s19, $0xb8;
	[tilespmem:$0x1D000] =	vst v63  }
0x2c: {  	_ =	swait.ge [sflag:s17], $0x2000  }
0x2d: {  	[sflag:s17] =	ssyncset.done $0x0  }
0x2e: {  	s29 =	simm.s32 $0x100;
	[sflag:s17] =	ssyncadd.s32 $0xFFFFE000  }
0x2f: {  	[tilespmem:s20], [sflag:$0x1] =	stream.indirect.gather [hbm4b:s5+s19], $0x40, s29, s19, $0xb8;
	[tilespmem:$0x1D000] =	vst v63  }
0x30: {  	_ =	swait.ge [sflag:s23], $0x2000  }
0x31: {  	[sflag:s23] =	ssyncset.done $0x0  }
0x32: {  	s29 =	simm.s32 $0x2880;
	[sflag:s23] =	ssyncadd.s32 $0xFFFFE000  }
0x33: {  	[spmem:s2] =	stream.indirect.scatter.add.f32 [tilespmem:s21], [sflag:$0x3], $0x40, s29, s19, $0xb8;
	[tilespmem:$0x1D000] =	vst v63  }
0x34: {  	_ =	swait.ge [sflag:s17], $0x2000  }
0x35: {  	s30 =	simm.s32 $0x800;
	s29 =	simm.s32 $0x100;
	[sflag:s17] =	ssyncset.done $0x0  }
.LBB2_2:
0x36: {  	s31 =	sadd.s32 $0x80, s29  }
0x37: {  	[sflag:s17] =	ssyncadd.s32 $0xFFFFE000;
	s0 =	smov.u32 s30;
	s4 =	sadd.s32 $0x400, s30  }
0x38: {  	[tilespmem:s21], [sflag:$0x2] =	stream.indirect.gather [hbm4b:s5+s19], $0x40, s31, s19, $0xb8;
	[tilespmem:$0x1D000] =	vst v63  }
0x39: {  	p0 =	sne.s32 s30, $0x9800;
	_ =	swait.ge [sflag:s22], $0x2000  }
0x3a: {  	[sflag:s22] =	ssyncset.done $0x0  }
0x3b: {  	s30 =	sadd.s32 $0x2800, s29;
	[sflag:s22] =	ssyncadd.s32 $0xFFFFE000  }
0x3c: {  	[spmem:s2] =	stream.indirect.scatter.add.f32 [tilespmem:s20], [sflag:$0x3], $0x40, s30, s19, $0xb8;
	[tilespmem:$0x1D000] =	vst v63  }
0x3d: {  	_ =	swait.ge [sflag:s17], $0x2000  }
0x3e: {  	[sflag:s17] =	ssyncset.done $0x0  }
0x3f: {  	s30 =	sadd.s32 $0x100, s29;
	[sflag:s17] =	ssyncadd.s32 $0xFFFFE000  }
0x40: {  	[tilespmem:s20], [sflag:$0x1] =	stream.indirect.gather [hbm4b:s5+s19], $0x40, s30, s19, $0xb8;
	[tilespmem:$0x1D000] =	vst v63  }
0x41: {  	_ =	swait.ge [sflag:s23], $0x2000  }
.Ltmp0:
0x42: {  	[sflag:s23] =	ssyncset.done $0x0;
	(pc) =	sbr.rel @p0 .LBB2_2-.Ltmp0, $4  }
0x43: {  	s29 =	sadd.s32 $0x2880, s29;
	[sflag:s23] =	ssyncadd.s32 $0xFFFFE000  }
0x44: {  	[spmem:s2] =	stream.indirect.scatter.add.f32 [tilespmem:s21], [sflag:$0x3], $0x40, s29, s19, $0xb8;
	[tilespmem:$0x1D000] =	vst v63  }
0x45: {  	_ =	swait.ge [sflag:s17], $0x2000  }
0x46: {  	s30 =	smov.u32 s4;
	s29 =	sshra.s32 s0, $0x2;
	[sflag:s17] =	ssyncset.done $0x0  }
0x47: {  	s0 =	sadd.s32 $0x80, s29;
	[sflag:s17] =	ssyncadd.s32 $0xFFFFE000  }
0x48: {  	[tilespmem:s21], [sflag:$0x2] =	stream.indirect.gather [hbm4b:s5+s19], $0x40, s0, s19, $0xb8;
	[tilespmem:$0x1D000] =	vst v63  }
0x49: {  	_ =	swait.ge [sflag:s22], $0x2000  }
0x4a: {  	[sflag:s22] =	ssyncset.done $0x0  }
0x4b: {  	s4 =	sadd.s32 $0x2800, s29;
	[sflag:s22] =	ssyncadd.s32 $0xFFFFE000  }
0x4c: {  	[spmem:s2] =	stream.indirect.scatter.add.f32 [tilespmem:s20], [sflag:$0x3], $0x40, s4, s19, $0xb8;
	[tilespmem:$0x1D000] =	vst v63  }
0x4d: {  	_ =	swait.ge [sflag:s17], $0x2000  }
0x4e: {  	[sflag:s17] =	ssyncset.done $0x0  }
0x4f: {  	s31 =	sadd.s32 $0x100, s29;
	[sflag:s17] =	ssyncadd.s32 $0xFFFFE000  }
0x50: {  	[tilespmem:s20], [sflag:$0x1] =	stream.indirect.gather [hbm4b:s5+s19], $0x40, s31, s19, $0xb8;
	[tilespmem:$0x1D000] =	vst v63  }
0x51: {  	_ =	swait.ge [sflag:s23], $0x2000  }
0x52: {  	[sflag:s23] =	ssyncset.done $0x0  }
0x53: {  	s4 =	sadd.s32 $0x2880, s29;
	[sflag:s23] =	ssyncadd.s32 $0xFFFFE000  }
0x54: {  	[spmem:s2] =	stream.indirect.scatter.add.f32 [tilespmem:s21], [sflag:$0x3], $0x40, s4, s19, $0xb8;
	[tilespmem:$0x1D000] =	vst v63  }
0x55: {  	_ =	swait.ge [sflag:s17], $0x2000  }
0x56: {  	[sflag:s17] =	ssyncset.done $0x0  }
0x57: {  	[sflag:s17] =	ssyncadd.s32 $0xFFFFE000  }
0x58: {  	[tilespmem:s21], [sflag:$0x2] =	stream.indirect.gather [hbm4b:s5+s19], $0x40, s24, s19, $0xb8;
	[tilespmem:$0x1D000] =	vst v63  }
0x59: {  	_ =	swait.ge [sflag:s22], $0x2000  }
0x5a: {  	[sflag:s22] =	ssyncset.done $0x0  }
0x5b: {  	[sflag:s22] =	ssyncadd.s32 $0xFFFFE000  }
0x5c: {  	[spmem:s2] =	stream.indirect.scatter.add.f32 [tilespmem:s20], [sflag:$0x3], $0x40, s25, s19, $0xb8;
	[tilespmem:$0x1D000] =	vst v63  }
0x5d: {  	_ =	swait.ge [sflag:s17], $0x2000  }
0x5e: {  	[sflag:s17] =	ssyncset.done $0x0  }
0x5f: {  	[sflag:s17] =	ssyncadd.s32 $0xFFFFE000  }
0x60: {  	_ =	swait.ge [sflag:s23], $0x2000  }
0x61: {  	[sflag:s23] =	ssyncset.done $0x0  }
0x62: {  	[sflag:s23] =	ssyncadd.s32 $0xFFFFE000  }
0x63: {  	[spmem:s2] =	stream.indirect.scatter.add.f32 [tilespmem:s21], [sflag:$0x3], $0x40, s26, s19, $0xb8;
	[tilespmem:$0x1D000] =	vst v63  }
0x64: {  	_ =	swait.ge [sflag:s17], $0x2000  }
0x65: {  	[sflag:s17] =	ssyncset.done $0x0  }
0x66: {  	s31 =	simm.s32 $0x0;
	[sflag:s17] =	ssyncadd.s32 $0xFFFFE000  }
0x67: {  	[tilespmem:s31], [sflag:$0x3] =	stream.linear.gather [hbm4b:s9+s31], $0x2800, $0x38;
	[tilespmem:$0x1D000] =	vst v63  }
0x68: {  	_ =	swait.ge [sflag:s17], $0x2800  }
0x69: {  	[sflag:s17] =	ssyncset.done $0x0  }
0x6a: {  	[sflag:s17] =	ssyncadd.s32 $0xFFFFD800  }
0x6b: {  	[tilespmem:s18], [sflag:$0x3] =	stream.linear.gather [hbm4b:s10+s31], $0x2800, $0x38;
	[tilespmem:$0x1D000] =	vst v63  }
0x6c: {  	_ =	swait.ge [sflag:s17], $0x2800  }
0x6d: {  	[sflag:s17] =	ssyncset.done $0x0  }
0x6e: {  	[sflag:s17] =	ssyncadd.s32 $0xFFFFD800  }
0x6f: {  	[tilespmem:s20], [sflag:$0x1] =	stream.indirect.gather [hbm4b:s5+s19], $0x40, s31, s19, $0xb8;
	[tilespmem:$0x1D000] =	vst v63  }
0x70: {  	s4 =	simm.s32 $0x80  }
0x71: {  	[tilespmem:s21], [sflag:$0x2] =	stream.indirect.gather [hbm4b:s5+s19], $0x40, s4, s19, $0xb8;
	[tilespmem:$0x1D000] =	vst v63  }
0x72: {  	_ =	swait.ge [sflag:s22], $0x2000  }
0x73: {  	[sflag:s22] =	ssyncset.done $0x0  }
0x74: {  	s31 =	simm.s32 $0x2800;
	[sflag:s22] =	ssyncadd.s32 $0xFFFFE000  }
0x75: {  	[spmem:s2] =	stream.indirect.scatter.add.f32 [tilespmem:s20], [sflag:$0x3], $0x40, s31, s19, $0xb8;
	[tilespmem:$0x1D000] =	vst v63  }
0x76: {  	_ =	swait.ge [sflag:s17], $0x2000  }
0x77: {  	[sflag:s17] =	ssyncset.done $0x0  }
0x78: {  	s4 =	simm.s32 $0x100;
	[sflag:s17] =	ssyncadd.s32 $0xFFFFE000  }
0x79: {  	[tilespmem:s20], [sflag:$0x1] =	stream.indirect.gather [hbm4b:s5+s19], $0x40, s4, s19, $0xb8;
	[tilespmem:$0x1D000] =	vst v63  }
0x7a: {  	_ =	swait.ge [sflag:s23], $0x2000  }
0x7b: {  	[sflag:s23] =	ssyncset.done $0x0  }
0x7c: {  	s31 =	simm.s32 $0x2880;
	[sflag:s23] =	ssyncadd.s32 $0xFFFFE000  }
0x7d: {  	[spmem:s2] =	stream.indirect.scatter.add.f32 [tilespmem:s21], [sflag:$0x3], $0x40, s31, s19, $0xb8;
	[tilespmem:$0x1D000] =	vst v63  }
0x7e: {  	_ =	swait.ge [sflag:s17], $0x2000  }
0x7f: {  	s30 =	simm.s32 $0x800;
	s29 =	simm.s32 $0x100;
	[sflag:s17] =	ssyncset.done $0x0  }
.LBB2_4:
0x80: {  	s0 =	sadd.s32 $0x80, s29  }
0x81: {  	[sflag:s17] =	ssyncadd.s32 $0xFFFFE000;
	s4 =	smov.u32 s30;
	s31 =	sadd.s32 $0x400, s30  }
0x82: {  	[tilespmem:s21], [sflag:$0x2] =	stream.indirect.gather [hbm4b:s5+s19], $0x40, s0, s19, $0xb8;
	[tilespmem:$0x1D000] =	vst v63  }
0x83: {  	p0 =	sne.s32 s30, $0x9800;
	_ =	swait.ge [sflag:s22], $0x2000  }
0x84: {  	[sflag:s22] =	ssyncset.done $0x0  }
0x85: {  	s0 =	sadd.s32 $0x2800, s29;
	[sflag:s22] =	ssyncadd.s32 $0xFFFFE000  }
0x86: {  	[spmem:s2] =	stream.indirect.scatter.add.f32 [tilespmem:s20], [sflag:$0x3], $0x40, s0, s19, $0xb8;
	[tilespmem:$0x1D000] =	vst v63  }
0x87: {  	_ =	swait.ge [sflag:s17], $0x2000  }
0x88: {  	[sflag:s17] =	ssyncset.done $0x0  }
0x89: {  	s0 =	sadd.s32 $0x100, s29;
	[sflag:s17] =	ssyncadd.s32 $0xFFFFE000  }
0x8a: {  	[tilespmem:s20], [sflag:$0x1] =	stream.indirect.gather [hbm4b:s5+s19], $0x40, s0, s19, $0xb8;
	[tilespmem:$0x1D000] =	vst v63  }
0x8b: {  	_ =	swait.ge [sflag:s23], $0x2000  }
.Ltmp1:
0x8c: {  	[sflag:s23] =	ssyncset.done $0x0;
	(pc) =	sbr.rel @p0 .LBB2_4-.Ltmp1, $4  }
0x8d: {  	s0 =	sadd.s32 $0x2880, s29;
	[sflag:s23] =	ssyncadd.s32 $0xFFFFE000  }
0x8e: {  	[spmem:s2] =	stream.indirect.scatter.add.f32 [tilespmem:s21], [sflag:$0x3], $0x40, s0, s19, $0xb8;
	[tilespmem:$0x1D000] =	vst v63  }
0x8f: {  	_ =	swait.ge [sflag:s17], $0x2000  }
0x90: {  	s30 =	smov.u32 s31;
	s29 =	sshra.s32 s4, $0x2;
	[sflag:s17] =	ssyncset.done $0x0  }
0x91: {  	s0 =	sadd.s32 $0x80, s29;
	[sflag:s17] =	ssyncadd.s32 $0xFFFFE000  }
0x92: {  	[tilespmem:s21], [sflag:$0x2] =	stream.indirect.gather [hbm4b:s5+s19], $0x40, s0, s19, $0xb8;
	[tilespmem:$0x1D000] =	vst v63  }
0x93: {  	_ =	swait.ge [sflag:s22], $0x2000  }
0x94: {  	[sflag:s22] =	ssyncset.done $0x0  }
0x95: {  	s4 =	sadd.s32 $0x2800, s29;
	[sflag:s22] =	ssyncadd.s32 $0xFFFFE000  }
0x96: {  	[spmem:s2] =	stream.indirect.scatter.add.f32 [tilespmem:s20], [sflag:$0x3], $0x40, s4, s19, $0xb8;
	[tilespmem:$0x1D000] =	vst v63  }
0x97: {  	_ =	swait.ge [sflag:s17], $0x2000  }
0x98: {  	[sflag:s17] =	ssyncset.done $0x0  }
0x99: {  	s31 =	sadd.s32 $0x100, s29;
	[sflag:s17] =	ssyncadd.s32 $0xFFFFE000  }
0x9a: {  	[tilespmem:s20], [sflag:$0x1] =	stream.indirect.gather [hbm4b:s5+s19], $0x40, s31, s19, $0xb8;
	[tilespmem:$0x1D000] =	vst v63  }
0x9b: {  	_ =	swait.ge [sflag:s23], $0x2000  }
0x9c: {  	[sflag:s23] =	ssyncset.done $0x0  }
0x9d: {  	s4 =	sadd.s32 $0x2880, s29;
	[sflag:s23] =	ssyncadd.s32 $0xFFFFE000  }
0x9e: {  	[spmem:s2] =	stream.indirect.scatter.add.f32 [tilespmem:s21], [sflag:$0x3], $0x40, s4, s19, $0xb8;
	[tilespmem:$0x1D000] =	vst v63  }
0x9f: {  	_ =	swait.ge [sflag:s17], $0x2000  }
0xa0: {  	[sflag:s17] =	ssyncset.done $0x0  }
0xa1: {  	[sflag:s17] =	ssyncadd.s32 $0xFFFFE000  }
0xa2: {  	[tilespmem:s21], [sflag:$0x2] =	stream.indirect.gather [hbm4b:s5+s19], $0x40, s24, s19, $0xb8;
	[tilespmem:$0x1D000] =	vst v63  }
0xa3: {  	_ =	swait.ge [sflag:s22], $0x2000  }
0xa4: {  	[sflag:s22] =	ssyncset.done $0x0  }
0xa5: {  	[sflag:s22] =	ssyncadd.s32 $0xFFFFE000  }
0xa6: {  	[spmem:s2] =	stream.indirect.scatter.add.f32 [tilespmem:s20], [sflag:$0x3], $0x40, s25, s19, $0xb8;
	[tilespmem:$0x1D000] =	vst v63  }
0xa7: {  	_ =	swait.ge [sflag:s17], $0x2000  }
0xa8: {  	[sflag:s17] =	ssyncset.done $0x0  }
0xa9: {  	[sflag:s17] =	ssyncadd.s32 $0xFFFFE000  }
0xaa: {  	_ =	swait.ge [sflag:s23], $0x2000  }
0xab: {  	[sflag:s23] =	ssyncset.done $0x0  }
0xac: {  	[sflag:s23] =	ssyncadd.s32 $0xFFFFE000  }
0xad: {  	[spmem:s2] =	stream.indirect.scatter.add.f32 [tilespmem:s21], [sflag:$0x3], $0x40, s26, s19, $0xb8;
	[tilespmem:$0x1D000] =	vst v63  }
0xae: {  	_ =	swait.ge [sflag:s17], $0x2000  }
0xaf: {  	[sflag:s17] =	ssyncset.done $0x0  }
0xb0: {  	[sflag:s17] =	ssyncadd.s32 $0xFFFFE000  }
0xb1: {  	[bflag:$0x0] =	sbarrier.arrive $0xFFFF  }
0xb2: {  	[hbm:s11], [sflag:s6] =	dma.local [spmem:s16], $0x1400  }
0xb3: {  	_ =	swait.ge [sflag:s17], $0x1400  }
0xb4: {  	[sflag:s17] =	ssyncset.done $0x0  }
0xb5: {  	[sflag:s17] =	ssyncadd.s32 $0xFFFFEC00  }
0xb6: {  	[spmem:s16], [sflag:s6] =	dma.local [hbm:s1], $0x1400  }
0xb7: {  	_ =	swait.ge [sflag:s17], $0x1400  }
0xb8: {  	[sflag:s17] =	ssyncset.done $0x0  }
0xb9: {  	[sflag:s17] =	ssyncadd.s32 $0xFFFFEC00  }
0xba: {  	s31 =	simm.s32 $0x0;
	[bflag:$0x0] =	sbarrier.arrive $0xFFFF  }
0xbb: {  	[tilespmem:s31], [sflag:$0x3] =	stream.linear.gather [hbm4b:s12+s31], $0x2800, $0x38;
	[tilespmem:$0x1D000] =	vst v63  }
0xbc: {  	_ =	swait.ge [sflag:s17], $0x2800  }
0xbd: {  	[sflag:s17] =	ssyncset.done $0x0  }
0xbe: {  	[sflag:s17] =	ssyncadd.s32 $0xFFFFD800  }
0xbf: {  	[tilespmem:s18], [sflag:$0x3] =	stream.linear.gather [hbm4b:s8+s31], $0x2800, $0x38;
	[tilespmem:$0x1D000] =	vst v63  }
0xc0: {  	_ =	swait.ge [sflag:s17], $0x2800  }
0xc1: {  	[sflag:s17] =	ssyncset.done $0x0  }
0xc2: {  	[sflag:s17] =	ssyncadd.s32 $0xFFFFD800  }
0xc3: {  	[tilespmem:s20], [sflag:$0x1] =	stream.indirect.gather [hbm4b:s5+s19], $0x40, s31, s19, $0xb8;
	[tilespmem:$0x1D000] =	vst v63  }
0xc4: {  	s4 =	simm.s32 $0x80  }
0xc5: {  	[tilespmem:s21], [sflag:$0x2] =	stream.indirect.gather [hbm4b:s5+s19], $0x40, s4, s19, $0xb8;
	[tilespmem:$0x1D000] =	vst v63  }
0xc6: {  	_ =	swait.ge [sflag:s22], $0x2000  }
0xc7: {  	[sflag:s22] =	ssyncset.done $0x0  }
0xc8: {  	s31 =	simm.s32 $0x2800;
	[sflag:s22] =	ssyncadd.s32 $0xFFFFE000  }
0xc9: {  	[spmem:s2] =	stream.indirect.scatter.add.f32 [tilespmem:s20], [sflag:$0x3], $0x40, s31, s19, $0xb8;
	[tilespmem:$0x1D000] =	vst v63  }
0xca: {  	_ =	swait.ge [sflag:s17], $0x2000  }
0xcb: {  	[sflag:s17] =	ssyncset.done $0x0  }
0xcc: {  	s4 =	simm.s32 $0x100;
	[sflag:s17] =	ssyncadd.s32 $0xFFFFE000  }
0xcd: {  	[tilespmem:s20], [sflag:$0x1] =	stream.indirect.gather [hbm4b:s5+s19], $0x40, s4, s19, $0xb8;
	[tilespmem:$0x1D000] =	vst v63  }
0xce: {  	_ =	swait.ge [sflag:s23], $0x2000  }
0xcf: {  	[sflag:s23] =	ssyncset.done $0x0  }
0xd0: {  	s31 =	simm.s32 $0x2880;
	[sflag:s23] =	ssyncadd.s32 $0xFFFFE000  }
0xd1: {  	[spmem:s2] =	stream.indirect.scatter.add.f32 [tilespmem:s21], [sflag:$0x3], $0x40, s31, s19, $0xb8;
	[tilespmem:$0x1D000] =	vst v63  }
0xd2: {  	_ =	swait.ge [sflag:s17], $0x2000  }
0xd3: {  	s30 =	simm.s32 $0x800;
	s29 =	simm.s32 $0x100;
	[sflag:s17] =	ssyncset.done $0x0  }
.LBB2_6:
0xd4: {  	s0 =	sadd.s32 $0x80, s29  }
0xd5: {  	[sflag:s17] =	ssyncadd.s32 $0xFFFFE000;
	s4 =	smov.u32 s30;
	s31 =	sadd.s32 $0x400, s30  }
0xd6: {  	[tilespmem:s21], [sflag:$0x2] =	stream.indirect.gather [hbm4b:s5+s19], $0x40, s0, s19, $0xb8;
	[tilespmem:$0x1D000] =	vst v63  }
0xd7: {  	p0 =	sne.s32 s30, $0x9800;
	_ =	swait.ge [sflag:s22], $0x2000  }
0xd8: {  	[sflag:s22] =	ssyncset.done $0x0  }
0xd9: {  	s0 =	sadd.s32 $0x2800, s29;
	[sflag:s22] =	ssyncadd.s32 $0xFFFFE000  }
0xda: {  	[spmem:s2] =	stream.indirect.scatter.add.f32 [tilespmem:s20], [sflag:$0x3], $0x40, s0, s19, $0xb8;
	[tilespmem:$0x1D000] =	vst v63  }
0xdb: {  	_ =	swait.ge [sflag:s17], $0x2000  }
0xdc: {  	[sflag:s17] =	ssyncset.done $0x0  }
0xdd: {  	s0 =	sadd.s32 $0x100, s29;
	[sflag:s17] =	ssyncadd.s32 $0xFFFFE000  }
0xde: {  	[tilespmem:s20], [sflag:$0x1] =	stream.indirect.gather [hbm4b:s5+s19], $0x40, s0, s19, $0xb8;
	[tilespmem:$0x1D000] =	vst v63  }
0xdf: {  	_ =	swait.ge [sflag:s23], $0x2000  }
.Ltmp2:
0xe0: {  	[sflag:s23] =	ssyncset.done $0x0;
	(pc) =	sbr.rel @p0 .LBB2_6-.Ltmp2, $4  }
0xe1: {  	s0 =	sadd.s32 $0x2880, s29;
	[sflag:s23] =	ssyncadd.s32 $0xFFFFE000  }
0xe2: {  	[spmem:s2] =	stream.indirect.scatter.add.f32 [tilespmem:s21], [sflag:$0x3], $0x40, s0, s19, $0xb8;
	[tilespmem:$0x1D000] =	vst v63  }
0xe3: {  	_ =	swait.ge [sflag:s17], $0x2000  }
0xe4: {  	s30 =	smov.u32 s31;
	s29 =	sshra.s32 s4, $0x2;
	[sflag:s17] =	ssyncset.done $0x0  }
0xe5: {  	s0 =	sadd.s32 $0x80, s29;
	[sflag:s17] =	ssyncadd.s32 $0xFFFFE000  }
0xe6: {  	[tilespmem:s21], [sflag:$0x2] =	stream.indirect.gather [hbm4b:s5+s19], $0x40, s0, s19, $0xb8;
	[tilespmem:$0x1D000] =	vst v63  }
0xe7: {  	_ =	swait.ge [sflag:s22], $0x2000  }
0xe8: {  	[sflag:s22] =	ssyncset.done $0x0  }
0xe9: {  	s4 =	sadd.s32 $0x2800, s29;
	[sflag:s22] =	ssyncadd.s32 $0xFFFFE000  }
0xea: {  	[spmem:s2] =	stream.indirect.scatter.add.f32 [tilespmem:s20], [sflag:$0x3], $0x40, s4, s19, $0xb8;
	[tilespmem:$0x1D000] =	vst v63  }
0xeb: {  	_ =	swait.ge [sflag:s17], $0x2000  }
0xec: {  	[sflag:s17] =	ssyncset.done $0x0  }
0xed: {  	s31 =	sadd.s32 $0x100, s29;
	[sflag:s17] =	ssyncadd.s32 $0xFFFFE000  }
0xee: {  	[tilespmem:s20], [sflag:$0x1] =	stream.indirect.gather [hbm4b:s5+s19], $0x40, s31, s19, $0xb8;
	[tilespmem:$0x1D000] =	vst v63  }
0xef: {  	_ =	swait.ge [sflag:s23], $0x2000  }
0xf0: {  	[sflag:s23] =	ssyncset.done $0x0  }
0xf1: {  	s4 =	sadd.s32 $0x2880, s29;
	[sflag:s23] =	ssyncadd.s32 $0xFFFFE000  }
0xf2: {  	[spmem:s2] =	stream.indirect.scatter.add.f32 [tilespmem:s21], [sflag:$0x3], $0x40, s4, s19, $0xb8;
	[tilespmem:$0x1D000] =	vst v63  }
0xf3: {  	_ =	swait.ge [sflag:s17], $0x2000  }
0xf4: {  	[sflag:s17] =	ssyncset.done $0x0  }
0xf5: {  	[sflag:s17] =	ssyncadd.s32 $0xFFFFE000  }
0xf6: {  	[tilespmem:s21], [sflag:$0x2] =	stream.indirect.gather [hbm4b:s5+s19], $0x40, s24, s19, $0xb8;
	[tilespmem:$0x1D000] =	vst v63  }
0xf7: {  	_ =	swait.ge [sflag:s22], $0x2000  }
0xf8: {  	[sflag:s22] =	ssyncset.done $0x0  }
0xf9: {  	[sflag:s22] =	ssyncadd.s32 $0xFFFFE000  }
0xfa: {  	[spmem:s2] =	stream.indirect.scatter.add.f32 [tilespmem:s20], [sflag:$0x3], $0x40, s25, s19, $0xb8;
	[tilespmem:$0x1D000] =	vst v63  }
0xfb: {  	_ =	swait.ge [sflag:s17], $0x2000  }
0xfc: {  	[sflag:s17] =	ssyncset.done $0x0  }
0xfd: {  	[sflag:s17] =	ssyncadd.s32 $0xFFFFE000  }
0xfe: {  	_ =	swait.ge [sflag:s23], $0x2000  }
0xff: {  	[sflag:s23] =	ssyncset.done $0x0  }
0x100: {  	[sflag:s23] =	ssyncadd.s32 $0xFFFFE000  }
0x101: {  	[spmem:s2] =	stream.indirect.scatter.add.f32 [tilespmem:s21], [sflag:$0x3], $0x40, s26, s19, $0xb8;
	[tilespmem:$0x1D000] =	vst v63  }
0x102: {  	_ =	swait.ge [sflag:s17], $0x2000  }
0x103: {  	[sflag:s17] =	ssyncset.done $0x0  }
0x104: {  	s31 =	simm.s32 $0x0;
	[sflag:s17] =	ssyncadd.s32 $0xFFFFE000  }
0x105: {  	[tilespmem:s31], [sflag:$0x3] =	stream.linear.gather [hbm4b:s13+s31], $0x2800, $0x38;
	[tilespmem:$0x1D000] =	vst v63  }
0x106: {  	_ =	swait.ge [sflag:s17], $0x2800  }
0x107: {  	[sflag:s17] =	ssyncset.done $0x0  }
0x108: {  	[sflag:s17] =	ssyncadd.s32 $0xFFFFD800  }
0x109: {  	[tilespmem:s18], [sflag:$0x3] =	stream.linear.gather [hbm4b:s10+s31], $0x2800, $0x38;
	[tilespmem:$0x1D000] =	vst v63  }
0x10a: {  	_ =	swait.ge [sflag:s17], $0x2800  }
0x10b: {  	[sflag:s17] =	ssyncset.done $0x0  }
0x10c: {  	[sflag:s17] =	ssyncadd.s32 $0xFFFFD800  }
0x10d: {  	[tilespmem:s20], [sflag:$0x1] =	stream.indirect.gather [hbm4b:s5+s19], $0x40, s31, s19, $0xb8;
	[tilespmem:$0x1D000] =	vst v63  }
0x10e: {  	s4 =	simm.s32 $0x80  }
0x10f: {  	[tilespmem:s21], [sflag:$0x2] =	stream.indirect.gather [hbm4b:s5+s19], $0x40, s4, s19, $0xb8;
	[tilespmem:$0x1D000] =	vst v63  }
0x110: {  	_ =	swait.ge [sflag:s22], $0x2000  }
0x111: {  	[sflag:s22] =	ssyncset.done $0x0  }
0x112: {  	s31 =	simm.s32 $0x2800;
	[sflag:s22] =	ssyncadd.s32 $0xFFFFE000  }
0x113: {  	[spmem:s2] =	stream.indirect.scatter.add.f32 [tilespmem:s20], [sflag:$0x3], $0x40, s31, s19, $0xb8;
	[tilespmem:$0x1D000] =	vst v63  }
0x114: {  	_ =	swait.ge [sflag:s17], $0x2000  }
0x115: {  	[sflag:s17] =	ssyncset.done $0x0  }
0x116: {  	s4 =	simm.s32 $0x100;
	[sflag:s17] =	ssyncadd.s32 $0xFFFFE000  }
0x117: {  	[tilespmem:s20], [sflag:$0x1] =	stream.indirect.gather [hbm4b:s5+s19], $0x40, s4, s19, $0xb8;
	[tilespmem:$0x1D000] =	vst v63  }
0x118: {  	_ =	swait.ge [sflag:s23], $0x2000  }
0x119: {  	[sflag:s23] =	ssyncset.done $0x0  }
0x11a: {  	s31 =	simm.s32 $0x2880;
	[sflag:s23] =	ssyncadd.s32 $0xFFFFE000  }
0x11b: {  	[spmem:s2] =	stream.indirect.scatter.add.f32 [tilespmem:s21], [sflag:$0x3], $0x40, s31, s19, $0xb8;
	[tilespmem:$0x1D000] =	vst v63  }
0x11c: {  	_ =	swait.ge [sflag:s17], $0x2000  }
0x11d: {  	s30 =	simm.s32 $0x800;
	s29 =	simm.s32 $0x100;
	[sflag:s17] =	ssyncset.done $0x0  }
.LBB2_8:
0x11e: {  	s0 =	sadd.s32 $0x80, s29  }
0x11f: {  	[sflag:s17] =	ssyncadd.s32 $0xFFFFE000;
	s4 =	smov.u32 s30;
	s31 =	sadd.s32 $0x400, s30  }
0x120: {  	[tilespmem:s21], [sflag:$0x2] =	stream.indirect.gather [hbm4b:s5+s19], $0x40, s0, s19, $0xb8;
	[tilespmem:$0x1D000] =	vst v63  }
0x121: {  	p0 =	sne.s32 s30, $0x9800;
	_ =	swait.ge [sflag:s22], $0x2000  }
0x122: {  	[sflag:s22] =	ssyncset.done $0x0  }
0x123: {  	s0 =	sadd.s32 $0x2800, s29;
	[sflag:s22] =	ssyncadd.s32 $0xFFFFE000  }
0x124: {  	[spmem:s2] =	stream.indirect.scatter.add.f32 [tilespmem:s20], [sflag:$0x3], $0x40, s0, s19, $0xb8;
	[tilespmem:$0x1D000] =	vst v63  }
0x125: {  	_ =	swait.ge [sflag:s17], $0x2000  }
0x126: {  	[sflag:s17] =	ssyncset.done $0x0  }
0x127: {  	s0 =	sadd.s32 $0x100, s29;
	[sflag:s17] =	ssyncadd.s32 $0xFFFFE000  }
0x128: {  	[tilespmem:s20], [sflag:$0x1] =	stream.indirect.gather [hbm4b:s5+s19], $0x40, s0, s19, $0xb8;
	[tilespmem:$0x1D000] =	vst v63  }
0x129: {  	_ =	swait.ge [sflag:s23], $0x2000  }
.Ltmp3:
0x12a: {  	[sflag:s23] =	ssyncset.done $0x0;
	(pc) =	sbr.rel @p0 .LBB2_8-.Ltmp3, $4  }
0x12b: {  	s0 =	sadd.s32 $0x2880, s29;
	[sflag:s23] =	ssyncadd.s32 $0xFFFFE000  }
0x12c: {  	[spmem:s2] =	stream.indirect.scatter.add.f32 [tilespmem:s21], [sflag:$0x3], $0x40, s0, s19, $0xb8;
	[tilespmem:$0x1D000] =	vst v63  }
0x12d: {  	_ =	swait.ge [sflag:s17], $0x2000  }
0x12e: {  	s30 =	smov.u32 s31;
	s29 =	sshra.s32 s4, $0x2;
	[sflag:s17] =	ssyncset.done $0x0  }
0x12f: {  	s0 =	sadd.s32 $0x80, s29;
	[sflag:s17] =	ssyncadd.s32 $0xFFFFE000  }
0x130: {  	[tilespmem:s21], [sflag:$0x2] =	stream.indirect.gather [hbm4b:s5+s19], $0x40, s0, s19, $0xb8;
	[tilespmem:$0x1D000] =	vst v63  }
0x131: {  	_ =	swait.ge [sflag:s22], $0x2000  }
0x132: {  	[sflag:s22] =	ssyncset.done $0x0  }
0x133: {  	s4 =	sadd.s32 $0x2800, s29;
	[sflag:s22] =	ssyncadd.s32 $0xFFFFE000  }
0x134: {  	[spmem:s2] =	stream.indirect.scatter.add.f32 [tilespmem:s20], [sflag:$0x3], $0x40, s4, s19, $0xb8;
	[tilespmem:$0x1D000] =	vst v63  }
0x135: {  	_ =	swait.ge [sflag:s17], $0x2000  }
0x136: {  	[sflag:s17] =	ssyncset.done $0x0  }
0x137: {  	s30 =	sadd.s32 $0x100, s29;
	[sflag:s17] =	ssyncadd.s32 $0xFFFFE000  }
0x138: {  	[tilespmem:s20], [sflag:$0x1] =	stream.indirect.gather [hbm4b:s5+s19], $0x40, s30, s19, $0xb8;
	[tilespmem:$0x1D000] =	vst v63  }
0x139: {  	_ =	swait.ge [sflag:s23], $0x2000  }
0x13a: {  	[sflag:s23] =	ssyncset.done $0x0  }
0x13b: {  	s31 =	sadd.s32 $0x2880, s29;
	[sflag:s23] =	ssyncadd.s32 $0xFFFFE000  }
0x13c: {  	[spmem:s2] =	stream.indirect.scatter.add.f32 [tilespmem:s21], [sflag:$0x3], $0x40, s31, s19, $0xb8;
	[tilespmem:$0x1D000] =	vst v63  }
0x13d: {  	_ =	swait.ge [sflag:s17], $0x2000  }
0x13e: {  	[sflag:s17] =	ssyncset.done $0x0  }
0x13f: {  	[sflag:s17] =	ssyncadd.s32 $0xFFFFE000  }
0x140: {  	[tilespmem:s21], [sflag:$0x2] =	stream.indirect.gather [hbm4b:s5+s19], $0x40, s24, s19, $0xb8;
	[tilespmem:$0x1D000] =	vst v63  }
0x141: {  	_ =	swait.ge [sflag:s22], $0x2000  }
0x142: {  	[sflag:s22] =	ssyncset.done $0x0  }
0x143: {  	[sflag:s22] =	ssyncadd.s32 $0xFFFFE000  }
0x144: {  	[spmem:s2] =	stream.indirect.scatter.add.f32 [tilespmem:s20], [sflag:$0x3], $0x40, s25, s19, $0xb8;
	[tilespmem:$0x1D000] =	vst v63  }
0x145: {  	_ =	swait.ge [sflag:s17], $0x2000  }
0x146: {  	[sflag:s17] =	ssyncset.done $0x0  }
0x147: {  	[sflag:s17] =	ssyncadd.s32 $0xFFFFE000  }
0x148: {  	_ =	swait.ge [sflag:s23], $0x2000  }
0x149: {  	[sflag:s23] =	ssyncset.done $0x0  }
0x14a: {  	[sflag:s23] =	ssyncadd.s32 $0xFFFFE000  }
0x14b: {  	[spmem:s2] =	stream.indirect.scatter.add.f32 [tilespmem:s21], [sflag:$0x3], $0x40, s26, s19, $0xb8;
	[tilespmem:$0x1D000] =	vst v63  }
0x14c: {  	_ =	swait.ge [sflag:s17], $0x2000  }
0x14d: {  	s28 =	sadd.s32 $0x1, s28;
	[sflag:s17] =	ssyncset.done $0x0  }
0x14e: {  	p0 =	sne.s32 s28, s15;
	[sflag:s17] =	ssyncadd.s32 $0xFFFFE000  }
.Ltmp4:
0x14f: {  	[bflag:$0x0] =	sbarrier.arrive $0xFFFF;
	(pc) =	sbr.rel @p0 .LBB2_1-.Ltmp4, $4  }
0x150: {  	[hbm:s14], [sflag:s6] =	dma.local [spmem:s16], $0x1400  }
0x151: {  	_ =	swait.ge [sflag:s17], $0x1400  }
0x152: {  	[sflag:s17] =	ssyncset.done $0x0  }
0x153: {  	[sflag:s17] =	ssyncadd.s32 $0xFFFFEC00  }
0x154: {  	_ =	sfence.sel $0x180000  }
0x155: {  	[bflag:$0x0] =	sbarrier.arrive $0xFFFF  }
0x156: {  	_ =	strace $0x9000004A  }
0x157: {  	s0 =	stileid.u32;
	[bflag:$0x2] =	sbarrier.arrive $0xFFFF  }
0x158: {  	p0 =	sne.s32 s0, $0x0;
	s0 =	rddreg [dreg:$0x4]  }
0x159: {  	s0 =	sadd.s32 @!p0 $0x100000, s0  }
0x15a: {  	[sflag:s0] =	ssyncadd.tile.s32 @!p0 $0x1;
	_ =	shalt  }
.Lfunc_end2:
_tile_overlayer_lowered:
.L_overlay_start_2:
0x15b: {  	(tag) =	ssettag $0x2  }
0x15c: {  	s0 =	rddreg [dreg:$0x0];
	s2 =	stileid.u32  }
0x15d: {  	s1 =	rddreg [dreg:$0x1];
	p0 =	sne.s32 s2, $0x0  }
0x15e: {  	s3 =	rddreg [dreg:$0x2];
	[bflag:$0x3] =	sbarrier.arrive $0xFFFF;
	s2 =	simm.s32 @!p0 $0x1C03  }
0x15f: {  	[timem:s3], [sflag:s2] =	dma.local @!p0 [hbm:s0], s1  }
0x160: {  	s0 =	simm.s32 @!p0 $0x3  }
0x161: {  	_ =	swait.ge @!p0 [sflag:s0], s1  }
0x162: {  	s1 =	ssub.s32 @!p0 $0x0, s1;
	[sflag:s0] =	ssyncset.done @!p0 $0x0  }
0x163: {  	[sflag:s0] =	ssyncadd.s32 @!p0 s1  }
0x164: {  	[bflag:$0x3] =	sbarrier.arrive $0xFFFF  }
0x165: {  	_ =	shalt  }

// kernel: kernel.4.cloned.1.call-start
scs
__scs_entry_jumppad:
0x0: {  	(pc) =	sbr.rel $0x88, $3  }
0x1: {  	(tag) =	ssettag $0x0;
	lr =	simm.s32 $0x1  }
0x2: {  	[smem:$0x3F99] =	sst lr;
	_ =	strace $0xD0000000  }
0x3: {  	_ = 	snop  }
0x4: {  	_ = 	snop  }
0x5: {  	_ = 	snop  }
0x6: {  	_ = 	snop  }
0x7: {  	_ = 	snop  }
__scs_overlays_trampoline_lowered:
0x8: {  	[smem:$0x3FA8] =	sst s0  }
0x9: {  	[smem:$0x3FA9] =	sst s1  }
0xa: {  	[smem:$0x3FAA] =	sst s2  }
0xb: {  	[smem:$0x3FAB] =	sst s3  }
0xc: {  	[smem:$0x3FAC] =	sst s4  }
0xd: {  	[smem:$0x3FAD] =	sst s5  }
0xe: {  	[smem:$0x3FAE] =	sst s6  }
0xf: {  	[smem:$0x3FAF] =	sst s7  }
0x10: {  	[smem:$0x3FB0] =	sst s8  }
0x11: {  	[smem:$0x3FB1] =	sst s9;
	s0 =	simm.s32 @!p0 $0x0  }
0x12: {  	s1 =	sld [smem:$0x3F97];
	s0 =	simm.s32 @p0 $0x1  }
0x13: {  	[smem:$0x3FB2] =	sst s0;
	s0 =	simm.s32 @!p1 $0x0  }
0x14: {  	s2 =	sld [smem:$0x3F96];
	s0 =	simm.s32 @p1 $0x1  }
0x15: {  	[smem:$0x3FB3] =	sst s0;
	s0 =	simm.s32 @!p2 $0x0  }
0x16: {  	s3 =	sld [smem:$0x3FDB];
	s0 =	simm.s32 @p2 $0x1  }
0x17: {  	s4 =	simm.s32 $0x1BF5;
	[smem:$0x3FB5] =	sst s0  }
0x18: {  	s0 =	sld [smem:$0x3F98];
	_ =	swait.ge [sflag:s4], $0x0  }
0x19: {  	s7 =	sld [smem:$0x3F99]  }
0x1a: {  	s8 =	sadd.s32 $0xFFFFE003, lr  }
0x1b: {  	s9 =	sadd.s32 $0xFFFFFEF7, lr;
	s5 =	simm.s32 $0xFFFFFFFF;
	p2 =	slt.u32 s8, $0xFFFFF086  }
0x1c: {  	p1 =	slt.u32 s9, $0xF7A;
	s5 =	simm.s32 @!p2 $0x0  }
0x1d: {  	s5 =	simm.s32 @p1 $0x1;
	p0 =	seq.s32 s7, s2  }
0x1e: {  	s7 =	smul.u32 @!p0 $0xF7A, s2;
	p2 =	seq.s32 @!p0 s5, $0x0  }
0x1f: {  	s9 =	smul.u32 $0xF7A, s1;
	s8 =	simm.s32 @!p0 $0x1BF5;
	p2 =	por !p2, p0  }
0x20: {  	[sflag:s8] =	ssyncset.s32 @!p0 $0xFFFFF086;
	s6 =	sadd.s32 @!p0 s3, s7;
	s7 =	simm.s32 @!p0 $0x108  }
0x21: {  	s3 =	sadd.s32 s3, s9;
	s6 =	sadd.s32 @!p0 $0x88, s6;
	s7 =	simm.s32 @p2 $0x1082  }
0x22: {  	[simem:s7], [sflag:s8] =	dma.local @!p0 [hbm:s6], $0xF7A  }
0x23: {  	s9 =	sor.u32 $0xD0000000, s2;
	s6 =	simm.s32 $0x108;
	_ =	swait.ge @!p0 [sflag:s8], $0x0  }
0x24: {  	s3 =	sadd.s32 $0x88, s3;
	s6 =	simm.s32 @!p1 $0x1082;
	[sflag:s4] =	ssyncset.s32 $0xFFFFF086  }
0x25: {  	[simem:s6], [sflag:s4] =	dma.local [hbm:s3], $0xF7A  }
0x26: {  	[smem:$0x3F99] =	sst s1;
	(tag) =	ssettag s2;
	_ =	strace s9  }
0x27: {  	s1 =	sld [smem:$0x3FA9]  }
0x28: {  	s2 =	sld [smem:$0x3FAA]  }
0x29: {  	s4 =	sld [smem:$0x3FAC]  }
0x2a: {  	p0 =	seq.s32 s5, $0x0;
	s5 =	sld [smem:$0x3FAD]  }
0x2b: {  	s6 =	sld [smem:$0x3FAE]  }
0x2c: {  	s7 =	sld [smem:$0x3FAF]  }
0x2d: {  	s3 =	simm.s32 $0x108;
	s8 =	sld [smem:$0x3FB0]  }
0x2e: {  	s3 =	simm.s32 @!p0 $0x1082;
	s9 =	sld [smem:$0x3FB1]  }
0x2f: {  	lr =	sadd.s32 s0, s3;
	s0 =	sld [smem:$0x3FA8]  }
0x30: {  	s3 =	sld [smem:$0x3FAB]  }
0x31: {  	[smem:$0x3FB4] =	sst s10  }
0x32: {  	s10 =	sld [smem:$0x3FB2];
	_ =	sdelay $0x3  }
0x33: {  	p0 =	seq.s32 s10, $0x1;
	s10 =	sld [smem:$0x3FB4];
	_ =	sdelay $0x3  }
0x34: {  	[smem:$0x3FB4] =	sst s10  }
0x35: {  	s10 =	sld [smem:$0x3FB3];
	_ =	sdelay $0x3  }
0x36: {  	p1 =	seq.s32 s10, $0x1;
	s10 =	sld [smem:$0x3FB4];
	_ =	sdelay $0x3  }
0x37: {  	[smem:$0x3FB4] =	sst s10  }
0x38: {  	s10 =	sld [smem:$0x3FB5]  }
0x39: {  	_ = 	snop;
	(pc) =	sbr.ind lr, $3  }
0x3a: {  	_ = 	snop  }
0x3b: {  	_ = 	snop  }
0x3c: {  	p2 =	seq.s32 s10, $0x1;
	s10 =	sld [smem:$0x3FB4]  }
0x3d: {  	_ =	shalt  }
0x3e: {  	_ =	shalt  }
0x3f: {  	_ =	shalt  }
0x40: {  	_ =	shalt  }
0x41: {  	_ =	shalt  }
0x42: {  	_ =	shalt  }
0x43: {  	_ =	shalt  }
0x44: {  	_ =	shalt  }
0x45: {  	_ =	shalt  }
0x46: {  	_ =	shalt  }
0x47: {  	_ =	shalt  }
0x48: {  	_ =	shalt  }
0x49: {  	_ =	shalt  }
0x4a: {  	_ =	shalt  }
0x4b: {  	_ =	shalt  }
0x4c: {  	_ =	shalt  }
0x4d: {  	_ =	shalt  }
0x4e: {  	_ =	shalt  }
0x4f: {  	_ =	shalt  }
0x50: {  	_ =	shalt  }
0x51: {  	_ =	shalt  }
0x52: {  	_ =	shalt  }
0x53: {  	_ =	shalt  }
0x54: {  	_ =	shalt  }
0x55: {  	_ =	shalt  }
0x56: {  	_ =	shalt  }
0x57: {  	_ =	shalt  }
0x58: {  	_ =	shalt  }
0x59: {  	_ =	shalt  }
0x5a: {  	_ =	shalt  }
0x5b: {  	_ =	shalt  }
0x5c: {  	_ =	shalt  }
0x5d: {  	_ =	shalt  }
0x5e: {  	_ =	shalt  }
0x5f: {  	_ =	shalt  }
0x60: {  	_ =	shalt  }
0x61: {  	_ =	shalt  }
0x62: {  	_ =	shalt  }
0x63: {  	_ =	shalt  }
0x64: {  	_ =	shalt  }
0x65: {  	_ =	shalt  }
0x66: {  	_ =	shalt  }
0x67: {  	_ =	shalt  }
0x68: {  	_ =	shalt  }
0x69: {  	_ =	shalt  }
0x6a: {  	_ =	shalt  }
0x6b: {  	_ =	shalt  }
0x6c: {  	_ =	shalt  }
0x6d: {  	_ =	shalt  }
0x6e: {  	_ =	shalt  }
0x6f: {  	_ =	shalt  }
0x70: {  	_ =	shalt  }
0x71: {  	_ =	shalt  }
0x72: {  	_ =	shalt  }
0x73: {  	_ =	shalt  }
0x74: {  	_ =	shalt  }
0x75: {  	_ =	shalt  }
0x76: {  	_ =	shalt  }
0x77: {  	_ =	shalt  }
0x78: {  	_ =	shalt  }
0x79: {  	_ =	shalt  }
0x7a: {  	_ =	shalt  }
0x7b: {  	_ =	shalt  }
0x7c: {  	_ =	shalt  }
0x7d: {  	_ =	shalt  }
0x7e: {  	_ =	shalt  }
0x7f: {  	_ =	shalt  }
0x80: {  	_ =	shalt  }
0x81: {  	_ =	shalt  }
0x82: {  	_ =	shalt  }
0x83: {  	_ =	shalt  }
0x84: {  	_ =	shalt  }
0x85: {  	_ =	shalt  }
0x86: {  	_ =	shalt  }
0x87: {  	_ =	shalt  }
.Lfunc_end0:
.L_simem_size_0:
called_computation.1_lowered:
.L_overlay_start_0:
0x88: {  	s2 =	sld [smem:$0x3FD9]  }
0x89: {  	s3 =	sld [smem:$0x3FFE];
	_ =	sdelay $0x1  }
0x8a: {  	s1 =	srdreg.scid  }
0x8b: {  	s0 =	sand.u32 $0x1, s1  }
0x8c: {  	s14 =	sshll.u32 s0, $0xA;
	s2 =	sadd.s32 s3, s2  }
0x8d: {  	s2 =	sadd.s32 s2, s14  }
0x8e: {  	[smem:$0x3FC0] =	sst s2  }
0x8f: {  	_ = 	snop  }
0x90: {  	s2 =	sld [smem:$0x3FD0];
	_ =	sdelay $0x2  }
0x91: {  	s15 =	simm.s32 $0xA;
	s4 =	simm.s32 $0x10  }
0x92: {  	[smem:s4], [sflag:s15] =	dma.local [hbm:s2], $0x1  }
0x93: {  	_ =	swait.eq [sflag:s15], $0x1  }
0x94: {  	[sflag:s15] =	ssyncset.done $0x0  }
0x95: {  	s16 =	sld [smem:$0x10];
	[sflag:s15] =	ssyncadd.s32 $0xFFFFFFFF  }
0x96: {  	s17 =	sld [smem:$0x11];
	(tm) =	ssettm $0x1  }
0x97: {  	s18 =	sld [smem:$0x3FFB];
	_ =	sdelay $0x3  }
0x98: {  	_ =	strace s18  }
0x99: {  	s4 =	sld [smem:$0x3FFC];
	_ =	sdelay $0x3  }
0x9a: {  	_ =	strace s4  }
0x9b: {  	s4 =	sld [smem:$0x3FFD];
	_ =	sdelay $0x3  }
0x9c: {  	_ =	strace s4  }
0x9d: {  	_ =	strace $0x8FFFFFFF  }
0x9e: {  	s19 =	sld [smem:$0x3FDB];
	_ =	sdelay $0x1  }
0x9f: {  	s5 =	simm.s32 $_scs_section_size  }
0xa0: {  	s6 =	simm.s32 $_size__tile_overlayer_lowered;
	s7 =	simm.s32 $_tile_overlayer_lowered  }
0xa1: {  	s22 =	simm.s32 $0x1BFF;
	s21 =	sshll.u32 s7, $0x1;
	s4 =	sadd.s32 s5, s19  }
0xa2: {  	s8 =	simm.s32 $0x0;
	s20 =	sshll.u32 s6, $0x1;
	s6 =	sadd.s32 s21, s4  }
0xa3: {  	[timem:s8], [sflag:s22] =	dma.local [hbm:s6], s20  }
0xa4: {  	_ =	swait.ge [sflag:s22], s20  }
0xa5: {  	s5 =	ssub.s32 $0x0, s20;
	[sflag:s22] =	ssyncset.done $0x0  }
0xa6: {  	[sflag:s22] =	ssyncadd.s32 s5;
	_ =	sdelay $0x1  }
0xa7: {  	s23 =	simm.s32 $0x1B8B  }
0xa8: {  	_ =	swait.ge [sflag:s23], $0x1  }
0xa9: {  	[sflag:s23] =	ssyncset.done $0x0  }
0xaa: {  	s25 =	simm.s32 $0x1B8E;
	s24 =	sld [smem:$0x3FFE];
	[sflag:s23] =	ssyncadd.s32 $0xFFFFFFFF  }
0xab: {  	s26 =	simm.s32 $execute0_lowered;
	[smem:$0x3FD2] =	sst s25  }
0xac: {  	s6 =	sshll.u32 s26, $0x1;
	_ =	strace $0x80000046;
	[dreg:$0x1] =	wrdreg $0xFFFFFFFF  }
0xad: {  	s28 =	simm.s32 $_size_execute0_lowered;
	s4 =	sadd.s32 s4, s6;
	[dreg:$0x0] =	wrdreg $0x0  }
0xae: {  	s6 =	sshll.u32 s28, $0x1;
	[dreg:$0x2] =	wrdreg s4  }
0xaf: {  	[dreg:$0x3] =	wrdreg s6  }
0xb0: {  	[dreg:$0x4] =	wrdreg $0xC0  }
0xb1: {  	_ =	task [dreg:s8], $0x5FFFF  }
0xb2: {  	[dreg:$0x1] =	wrdreg $0xFFFFFFFF  }
0xb3: {  	[dreg:$0x0] =	wrdreg $0x60  }
0xb4: {  	[dreg:$0x2] =	wrdreg s16  }
0xb5: {  	[dreg:$0x3] =	wrdreg s24  }
0xb6: {  	[dreg:$0x4] =	wrdreg s17  }
0xb7: {  	[dreg:$0x5] =	wrdreg $0x2B000  }
0xb8: {  	[dreg:$0x6] =	wrdreg $0x9  }
0xb9: {  	_ =	task.clear_ibuf [dreg:s8], $0x7FFFF;
	_ =	strace $0x90000046  }
0xba: {  	s29 =	simm.s32 $0x9;
	_ =	strace $0x80000048  }
0xbb: {  	_ =	swait.ge [sflag:s29], $0x1  }
0xbc: {  	[sflag:s29] =	ssyncadd.s32 $0xFFFFFFFF  }
0xbd: {  	_ =	strace $0x90000048  }
0xbe: {  	_ =	sfence  }
0xbf: {  	s30 =	sld [smem:$0x0];
	_ =	sdelay $0x2  }
0xc0: {  	s31 =	sshll.u32 s1, $0xD;
	s1 =	sshrl.u32 s1, $0x2  }
0xc1: {  	s3 =	sand.u32 $0x4000, s31;
	s1 =	sadd.s32 s1, s30  }
0xc2: {  	s0 =	sor.u32 s3, s0;
	s1 =	sshll.u32 s1, $0x11  }
0xc3: {  	s0 =	sor.u32 s1, s0  }
0xc4: {  	s0 =	sadd.s32 $0x8F2B, s0  }
0xc5: {  	[sflag:s0] =	ssyncadd.remote.s32 $0x1  }
0xc6: {  	_ =	sfence.sel $0xFFFF  }
0xc7: {  	[dreg:$0x0] =	wrdreg $0xFFFFFFFF;
	(pc) =	sbr.abs _section_cstart, $3  }
0xc8: {  	[dreg:$0x1] =	wrdreg $0xFFFFFFFF  }
0xc9: {  	_ =	task.clear_ibuf [dreg:s8], $0x2FFFF;
	_ =	strace $0x9FFFFFFF  }
0xca: {  	(tm) =	ssettm $0x7FFFFFFF  }
0xcb: {  	_ =	shalt  }
tec
execute0_lowered:
.L_overlay_start_1:
0x0: {  	(tag) =	ssettag $0x1  }
0x1: {  	s6 =	rddreg [dreg:$0x0]  }
0x2: {  	s5 =	rddreg [dreg:$0x1]  }
0x3: {  	s8 =	rddreg [dreg:$0x2]  }
0x4: {  	s2 =	rddreg [dreg:$0x3]  }
0x5: {  	s0 =	rddreg [dreg:$0x4]  }
0x6: {  	s3 =	simm.s32 $0x0;
	s4 =	srdreg.scid;
	s1 =	stileid.u32  }
0x7: {  	s13 =	simm.s32 $0x80;
	s14 =	simm.s32 $0x0;
	[smem:$0x7FF] =	sst s3  }
0x8: {  	s7 =	sand.u32 $0x1, s4;
	s9 =	smul.u32 $0x280, s1;
	s4 =	sadd.s32 $0x2A00, s5  }
0x9: {  	s5 =	sadd.s32 $0x2C00, s5;
	s10 =	sshll.u32 s7, $0x4;
	s11 =	smul.u32 $0x2800, s7  }
0xa: {  	_ =	strace $0x80000047;
	s7 =	ssub.s32 $0x2, s7;
	s10 =	sor.u32 s1, s10  }
0xb: {  	s12 =	sshrl.u32 s7, $0x1;
	s10 =	smul.u32 $0x500, s10;
	s11 =	sadd.s32 s9, s11  }
0xc: {  	s12 =	ssub.s32 s7, s12;
	s7 =	sadd.s32 s9, s2;
	s11 =	sshrl.u32 s11, $0x3  }
0xd: {  	s9 =	smax.u32 s12, $0x1;
	s12 =	simm.s32 $0x2880;
	s6 =	sadd.s32 s6, s10  }
0xe: {  	s8 =	sadd.s32 s8, s11;
	s10 =	simm.s32 $0x1;
	s11 =	simm.s32 $0x2800  }
.LBB2_1:
0xf: {  	[tilespmem:s3], [sflag:$0x1] =	stream.linear.gather [hbm4b:s6+s3], $0x2800, $0x38;
	[tilespmem:$0x3000] =	vst v63  }
0x10: {  	_ =	swait.ge [sflag:s10], $0x2800  }
0x11: {  	[sflag:s10] =	ssyncset.done $0x0  }
0x12: {  	[sflag:s10] =	ssyncadd.s32 $0xFFFFD800  }
0x13: {  	[tilespmem:s11], [sflag:$0x1] =	stream.linear.gather [hbm4b:s4+s3], $0x80, $0x38;
	[tilespmem:$0x3000] =	vst v63  }
0x14: {  	_ =	swait.ge [sflag:s10], $0x80  }
0x15: {  	[sflag:s10] =	ssyncset.done $0x0  }
0x16: {  	[sflag:s10] =	ssyncadd.s32 $0xFFFFFF80  }
0x17: {  	[tilespmem:s12], [sflag:$0x1] =	stream.linear.gather [hbm4b:s5+s3], $0x280, $0x38;
	[tilespmem:$0x3000] =	vst v63  }
0x18: {  	_ =	swait.ge [sflag:s10], $0x280  }
0x19: {  	[sflag:s10] =	ssyncset.done $0x0  }
0x1a: {  	[sflag:s10] =	ssyncadd.s32 $0xFFFFFD80  }
0x1b: {  	[spmem:s7] =	stream.linear.scatter [tilespmem:s12], [sflag:$0x1], $0x280, $0x38;
	[tilespmem:$0x3000] =	vst v63  }
0x1c: {  	_ =	swait.ge [sflag:s10], $0x280  }
0x1d: {  	[sflag:s10] =	ssyncset.done $0x0  }
0x1e: {  	[sflag:s10] =	ssyncadd.s32 $0xFFFFFD80  }
0x1f: {  	s15 =	simm.s32 $0x0;
	[bflag:$0x0] =	sbarrier.arrive $0xFFFF  }
0x20: {  	[spmem:s2] =	stream.indirect.scatter.add.f32 [tilespmem:s11], [sflag:$0x1], $0x1, s15, s13, $0xb8;
	[tilespmem:$0x3000] =	vst v63  }
0x21: {  	_ =	swait.ge [sflag:s10], $0x80  }
0x22: {  	s15 =	simm.s32 $0x200;
	[sflag:s10] =	ssyncset.done $0x0  }
.LBB2_2:
0x23: {  	s16 =	sshra.s32 s15, $0x2;
	[sflag:s10] =	ssyncadd.s32 $0xFFFFFF80;
	p0 =	sne.s32 s15, $0x9E00  }
0x24: {  	[spmem:s2] =	stream.indirect.scatter.add.f32 [tilespmem:s11], [sflag:$0x1], $0x1, s16, s13, $0xb8;
	[tilespmem:$0x3000] =	vst v63  }
.Ltmp0:
0x25: {  	_ = 	snop;
	(pc) =	sbr.rel @p0 .LBB2_2-.Ltmp0, $4  }
0x26: {  	_ = 	snop  }
0x27: {  	s15 =	sadd.s32 $0x200, s15  }
0x28: {  	_ =	swait.ge [sflag:s10], $0x80  }
0x29: {  	[sflag:s10] =	ssyncset.done $0x0  }
0x2a: {  	[sflag:s10] =	ssyncadd.s32 $0xFFFFFF80  }
0x2b: {  	[bflag:$0x0] =	sbarrier.arrive $0xFFFF  }
0x2c: {  	[tilespmem:s12], [sflag:$0x1] =	stream.linear.gather [spmem:s7], $0x280, $0x38;
	[tilespmem:$0x3000] =	vst v63  }
0x2d: {  	s14 =	sadd.s32 $0x1, s14;
	_ =	swait.ge [sflag:s10], $0x280  }
0x2e: {  	p0 =	sne.s32 s14, s9;
	[sflag:s10] =	ssyncset.done $0x0  }
.Ltmp1:
0x2f: {  	[sflag:s10] =	ssyncadd.s32 $0xFFFFFD80;
	(pc) =	sbr.rel @p0 .LBB2_1-.Ltmp1, $4  }
0x30: {  	[hbm4b:s8+s3] =	stream.linear.scatter [tilespmem:s12], [sflag:$0x1], $0x280, $0x38;
	[tilespmem:$0x3000] =	vst v63  }
0x31: {  	_ =	swait.ge [sflag:s10], $0x280  }
0x32: {  	[sflag:s10] =	ssyncset.done $0x0  }
0x33: {  	[sflag:s10] =	ssyncadd.s32 $0xFFFFFD80  }
0x34: {  	_ =	sfence.sel $0x180000  }
0x35: {  	[bflag:$0x0] =	sbarrier.arrive $0xFFFF  }
0x36: {  	p0 =	sne.s32 s1, $0x0;
	_ =	strace $0x90000047  }
0x37: {  	s0 =	sadd.s32 @!p0 $0x100000, s0;
	[bflag:$0x2] =	sbarrier.arrive $0xFFFF  }
0x38: {  	[sflag:s0] =	ssyncadd.tile.s32 @!p0 $0x1;
	_ =	shalt  }
.Lfunc_end2:
_tile_overlayer_lowered:
.L_overlay_start_2:
0x39: {  	(tag) =	ssettag $0x2  }
0x3a: {  	s0 =	rddreg [dreg:$0x0];
	s2 =	stileid.u32  }
0x3b: {  	s1 =	rddreg [dreg:$0x1];
	p0 =	sne.s32 s2, $0x0  }
0x3c: {  	s3 =	rddreg [dreg:$0x2];
	[bflag:$0x3] =	sbarrier.arrive $0xFFFF;
	s2 =	simm.s32 @!p0 $0x1C01  }
0x3d: {  	[timem:s3], [sflag:s2] =	dma.local @!p0 [hbm:s0], s1  }
0x3e: {  	s0 =	simm.s32 @!p0 $0x1  }
0x3f: {  	_ =	swait.ge @!p0 [sflag:s0], s1  }
0x40: {  	s1 =	ssub.s32 @!p0 $0x0, s1;
	[sflag:s0] =	ssyncset.done @!p0 $0x0  }
0x41: {  	[sflag:s0] =	ssyncadd.s32 @!p0 s1  }
0x42: {  	[bflag:$0x3] =	sbarrier.arrive $0xFFFF  }
0x43: {  	_ =	shalt  }

</sc_bundles>
